<compile_context>
chip_gen: v7x
topology: tpu7x:2x2x1
jax: 0.10.2.dev20260603
libtpu: 0.0.44.dev20260713+nightly
codegen_flags: <defaults>
</compile_context>

<pallas_src>
import functools

import jax
import jax.numpy as jnp
from jax import lax
from jax.experimental import pallas as pl
from jax.experimental.pallas import tpu as pltpu
from jax.experimental.pallas import tpu_sc as plsc

_B, _N, _K, _D = 8, 4096, 16, 64
_ROWS = _B * _N * _K
_RPB = _N * _K
_NC, _NS = 2, 16
_NW = _NC * _NS
_RPW = _ROWS // _NW
_C = 512
_NCHUNK = _RPW // _C
_G = 64
_NG = _C // _G

_mesh = plsc.VectorSubcoreMesh(core_axis_name="c", subcore_axis_name="s")


@functools.partial(
    pl.kernel,
    mesh=_mesh,
    out_type=jax.ShapeDtypeStruct((_ROWS, _D), jnp.float32),
    scratch_types=[
        pltpu.VMEM((_K, _C // _K), jnp.int32),
        pltpu.VMEM((_K, _C // _K), jnp.int32),
        pltpu.VMEM((_C,), jnp.int32),
        pltpu.VMEM((_C,), jnp.int32),
        pltpu.VMEM((_C, _D), jnp.float32),
        pltpu.VMEM((_C, _D), jnp.float32),
        pltpu.SemaphoreType.DMA,
        pltpu.SemaphoreType.DMA,
        pltpu.SemaphoreType.DMA,
        pltpu.SemaphoreType.DMA,
    ],
    compiler_params=pltpu.CompilerParams(
        use_tc_tiling_on_sc=False, needs_layout_passes=False
    ),
)
def _lfi_gather(x_hbm, idx_hbm, out_hbm, raw0, raw1, idx0, idx1, rows0, rows1,
                sem_g0, sem_g1, sem_w, sem_i):
    cid = lax.axis_index("c")
    sid = lax.axis_index("s")
    wid = sid * _NC + cid
    base = wid * _RPW
    bb = base // _RPB
    off = bb * _N
    p_base = (base % _RPB) // _K

    raw_v = (raw0, raw1)
    idx_v = (idx0, idx1)
    rows_v = (rows0, rows1)
    sem_g = (sem_g0, sem_g1)

    def clamp_p0(g):
        gc = jnp.minimum(g, _NCHUNK - 1)
        return pl.multiple_of(p_base + gc * (_C // _K), _C // _K)

    def prep(s):
        iota = lax.iota(jnp.int32, 16)

        def body(t, c):
            rows = (t & 7) * 2 + (iota & 1)
            cols = (t >> 3) * 8 + (iota >> 1)
            v = plsc.load_gather(raw_v[s], [rows, cols])
            idx_v[s][pl.ds(t * 16, 16)] = v + off
            return c

        lax.fori_loop(0, _C // 16, body, 0)

    def fire_gathers(s):
        for j in range(_NG):
            pltpu.async_copy(
                x_hbm.at[idx_v[s].at[pl.ds(j * _G, _G)]],
                rows_v[s].at[pl.ds(j * _G, _G)],
                sem_g[s],
            )

    def wait_gathers(s):
        for j in range(_NG):
            pltpu.make_async_copy(
                x_hbm.at[idx_v[s].at[pl.ds(j * _G, _G)]],
                rows_v[s].at[pl.ds(j * _G, _G)],
                sem_g[s],
            ).wait()

    def fire_idx(g, s):
        pltpu.async_copy(
            idx_hbm.at[bb, :, pl.ds(clamp_p0(g), _C // _K)], raw_v[s], sem_i
        )

    def wait_idx(g, s):
        pltpu.make_async_copy(
            idx_hbm.at[bb, :, pl.ds(clamp_p0(g), _C // _K)], raw_v[s], sem_i
        ).wait()

    def fire_wb(g, s):
        pltpu.async_copy(rows_v[s], out_hbm.at[pl.ds(base + g * _C, _C)], sem_w)

    def wait_wb(g, s):
        pltpu.make_async_copy(
            rows_v[s], out_hbm.at[pl.ds(base + g * _C, _C)], sem_w
        ).wait()

    fire_idx(0, 0)
    wait_idx(0, 0)
    prep(0)
    fire_gathers(0)
    fire_idx(1, 1)

    def step(g, s):
        wait_idx(g + 1, 1 - s)
        fire_idx(g + 2, s)
        prep(1 - s)

        @pl.when(g > 0)
        def _():
            wait_wb(g - 1, 1 - s)

        @pl.when(g + 1 < _NCHUNK)
        def _():
            fire_gathers(1 - s)

        wait_gathers(s)
        fire_wb(g, s)

    def outer(o, carry):
        step(2 * o, 0)
        step(2 * o + 1, 1)
        return carry

    lax.fori_loop(0, _NCHUNK // 2, outer, 0)

    wait_wb(_NCHUNK - 1, (_NCHUNK - 1) % 2)
    wait_idx(_NCHUNK + 1, (_NCHUNK - 1) % 2)


def kernel(x, refer_idx):
    b, n, d = x.shape
    k = refer_idx.shape[2]
    x_flat = x.reshape(b * n, d)
    idx_t = refer_idx.astype(jnp.int32).transpose(0, 2, 1)
    out = _lfi_gather(x_flat, idx_t)
    out5 = out.reshape(b, n // 8, k // 2, 8, 2 * d)
    return out5.transpose(0, 1, 3, 2, 4).reshape(b, n, k * d)

# --- scband reference (transcript-rebuilt; emitter-appended) ---
"""Pipeline reference for scband-lfi-32796370272959 (READ-ONLY COPY).

The authoritative reference and input builder live on the scoring server;
editing this copy changes nothing except your own understanding.
"""

import jax, jax.numpy as jnp
import numpy as np


def setup_inputs(seed: int = 0) -> dict:
    key = jax.random.key(seed)
    k_x, k_idx = jax.random.split(key)
    x = jax.random.normal(k_x, (8, 4096, 64), dtype=jnp.float32)
    refer_idx = jax.random.randint(k_idx, (8, 4096, 16), 0, 4096, dtype=jnp.int64)
    return {"x": x, "refer_idx": refer_idx}


def reference(x, refer_idx):
    # Faithful translation of get_local_feature / LFI.forward
    batch_size, num_points, num_dims = x.shape
    k = refer_idx.shape[2]
    idx_base = jnp.arange(0, batch_size, dtype=refer_idx.dtype).reshape(-1, 1, 1) * num_points
    idx = (refer_idx + idx_base).reshape(-1)
    feature = x.reshape(batch_size * num_points, num_dims)[idx, :]
    feature = feature.reshape(batch_size, num_points, k * num_dims)
    return feature

if __name__ == "__main__":
    import jax
    _d = setup_inputs()
    print(jax.jit(kernel)(*tuple(_d.values())))

</pallas_src>

<mosaic_0001>
#map = affine_map<(d0, d1) -> (0, 0)>
#map1 = affine_map<(d0, d1) -> (0, 0, 0)>
module attributes {stable_mosaic.version = 14 : i64} {
  func.func @_lfi_gather(%arg0: i32, %arg1: i32, %arg2: memref<32768x64xf32, #tpu.memory_space<hbm>>, %arg3: memref<8x16x4096xi32, #tpu.memory_space<hbm>>, %arg4: memref<524288x64xf32, #tpu.memory_space<hbm>>, %arg5: memref<16x32xi32, #tpu.memory_space<vmem>>, %arg6: memref<16x32xi32, #tpu.memory_space<vmem>>, %arg7: memref<512xi32, #tpu.memory_space<vmem>>, %arg8: memref<512xi32, #tpu.memory_space<vmem>>, %arg9: memref<512x64xf32, #tpu.memory_space<vmem>>, %arg10: memref<512x64xf32, #tpu.memory_space<vmem>>, %arg11: memref<!tpu.dma_semaphore, #tpu.memory_space<semaphore_mem>>, %arg12: memref<!tpu.dma_semaphore, #tpu.memory_space<semaphore_mem>>, %arg13: memref<!tpu.dma_semaphore, #tpu.memory_space<semaphore_mem>>, %arg14: memref<!tpu.dma_semaphore, #tpu.memory_space<semaphore_mem>>) attributes {dimension_semantics = [#tpu.dimension_semantics<core_parallel>, #tpu.dimension_semantics<subcore_parallel>], iteration_bounds = array<i64: 2, 16>, scalar_prefetch = 0 : i64, scratch_operands = 10 : i64, tpu.core_type = #tpu.core_type<sc_vector_subcore>, window_params = [{transform_indices = #map}, {transform_indices = #map1}, {transform_indices = #map}]} {
    %mul3A = arith.constant 2 : i32
    %mul3A_0 = arith.muli %arg1, %mul3A : i32
    %add3A = arith.addi %mul3A_0, %arg0 : i32
    %mul3A_1 = arith.constant 16384 : i32
    %mul3A_2 = arith.muli %add3A, %mul3A_1 : i32
    %jit3A = arith.constant 65536 : i32
    %div3A = arith.divsi %mul3A_2, %jit3A : i32
    %sign3A = arith.constant 0 : i32
    %sign3A_3 = arith.cmpi sgt, %mul3A_2, %sign3A : i32
    %sign3A_4 = arith.extui %sign3A_3 : i1 to i32
    %sign3A_5 = arith.constant 0 : i32
    %sign3A_6 = arith.cmpi slt, %mul3A_2, %sign3A_5 : i32
    %sign3A_7 = arith.extui %sign3A_6 : i1 to i32
    %sign3A_8 = arith.subi %sign3A_4, %sign3A_7 : i32
    %sign3A_9 = arith.constant 0 : i32
    %sign3A_10 = arith.cmpi sgt, %jit3A, %sign3A_9 : i32
    %sign3A_11 = arith.extui %sign3A_10 : i1 to i32
    %sign3A_12 = arith.constant 0 : i32
    %sign3A_13 = arith.cmpi slt, %jit3A, %sign3A_12 : i32
    %sign3A_14 = arith.extui %sign3A_13 : i1 to i32
    %sign3A_15 = arith.subi %sign3A_11, %sign3A_14 : i32
    %ne3A = arith.cmpi ne, %sign3A_8, %sign3A_15 : i32
    %rem3A = arith.remsi %mul3A_2, %jit3A : i32
    %ne3A_16 = arith.constant 0 : i32
    %ne3A_17 = arith.cmpi ne, %rem3A, %ne3A_16 : i32
    %and3A = arith.andi %ne3A, %ne3A_17 : i1
    %sub3A = arith.constant 1 : i32
    %sub3A_18 = arith.subi %div3A, %sub3A : i32
    %select_n3A = arith.select %and3A, %sub3A_18, %div3A : i32
    %mul3A_19 = arith.constant 4096 : i32
    %mul3A_20 = arith.muli %select_n3A, %mul3A_19 : i32
    %jit3A_21 = arith.constant 65536 : i32
    %eq3A = arith.constant 0 : i32
    %eq3A_22 = arith.cmpi eq, %jit3A_21, %eq3A : i32
    %jit3A_23 = arith.constant 1 : i32
    %select_n3A_24 = arith.select %eq3A_22, %jit3A_23, %jit3A_21 : i32
    %rem3A_25 = arith.remsi %mul3A_2, %select_n3A_24 : i32
    %ne3A_26 = arith.constant 0 : i32
    %ne3A_27 = arith.cmpi ne, %rem3A_25, %ne3A_26 : i32
    %lt3A = arith.constant 0 : i32
    %lt3A_28 = arith.cmpi slt, %rem3A_25, %lt3A : i32
    %lt3A_29 = arith.constant 0 : i32
    %lt3A_30 = arith.cmpi slt, %select_n3A_24, %lt3A_29 : i32
    %ne3A_31 = arith.xori %lt3A_28, %lt3A_30 : i1
    %and3A_32 = arith.andi %ne3A_31, %ne3A_27 : i1
    %add3A_33 = arith.addi %rem3A_25, %select_n3A_24 : i32
    %select_n3A_34 = arith.select %and3A_32, %add3A_33, %rem3A_25 : i32
    %jit3A_35 = arith.constant 16 : i32
    %div3A_36 = arith.divsi %select_n3A_34, %jit3A_35 : i32
    %sign3A_37 = arith.constant 0 : i32
    %sign3A_38 = arith.cmpi sgt, %select_n3A_34, %sign3A_37 : i32
    %sign3A_39 = arith.extui %sign3A_38 : i1 to i32
    %sign3A_40 = arith.constant 0 : i32
    %sign3A_41 = arith.cmpi slt, %select_n3A_34, %sign3A_40 : i32
    %sign3A_42 = arith.extui %sign3A_41 : i1 to i32
    %sign3A_43 = arith.subi %sign3A_39, %sign3A_42 : i32
    %sign3A_44 = arith.constant 0 : i32
    %sign3A_45 = arith.cmpi sgt, %jit3A_35, %sign3A_44 : i32
    %sign3A_46 = arith.extui %sign3A_45 : i1 to i32
    %sign3A_47 = arith.constant 0 : i32
    %sign3A_48 = arith.cmpi slt, %jit3A_35, %sign3A_47 : i32
    %sign3A_49 = arith.extui %sign3A_48 : i1 to i32
    %sign3A_50 = arith.subi %sign3A_46, %sign3A_49 : i32
    %ne3A_51 = arith.cmpi ne, %sign3A_43, %sign3A_50 : i32
    %rem3A_52 = arith.remsi %select_n3A_34, %jit3A_35 : i32
    %ne3A_53 = arith.constant 0 : i32
    %ne3A_54 = arith.cmpi ne, %rem3A_52, %ne3A_53 : i32
    %and3A_55 = arith.andi %ne3A_51, %ne3A_54 : i1
    %sub3A_56 = arith.constant 1 : i32
    %sub3A_57 = arith.subi %div3A_36, %sub3A_56 : i32
    %select_n3A_58 = arith.select %and3A_55, %sub3A_57, %div3A_36 : i32
    %min3A = arith.constant 0 : i32
    %min3A_59 = arith.constant 31 : i32
    %min3A_60 = arith.minsi %min3A, %min3A_59 : i32
    %mul3A_61 = arith.constant 32 : i32
    %mul3A_62 = arith.muli %min3A_60, %mul3A_61 : i32
    %add3A_63 = arith.addi %select_n3A_58, %mul3A_62 : i32
    %multiple_of3A = tpu.assume_multiple %add3A_63, 32 : i32
    %dma_start3A = arith.constant 0 : i32
    %dma_start3A_64 = tpu.memref_slice %arg3[%select_n3A, %dma_start3A, %multiple_of3A] : memref<8x16x4096xi32, #tpu.memory_space<hbm>> -> memref<1x16x32xi32, #tpu.memory_space<hbm>>
    %dma_start3A_65 = tpu.memref_squeeze %dma_start3A_64 : memref<1x16x32xi32, #tpu.memory_space<hbm>> -> memref<16x32xi32, #tpu.memory_space<hbm>>
    %dma_start3A_66 = arith.constant 0 : i32
    %dma_start3A_67 = tpu.memref_slice %arg3[%select_n3A, %dma_start3A_66, %multiple_of3A] : memref<8x16x4096xi32, #tpu.memory_space<hbm>> -> memref<1x16x32xi32, #tpu.memory_space<hbm>>
    %dma_start3A_68 = tpu.memref_squeeze %dma_start3A_67 : memref<1x16x32xi32, #tpu.memory_space<hbm>> -> memref<16x32xi32, #tpu.memory_space<hbm>>
    tpu.enqueue_dma source(%dma_start3A_68 : memref<16x32xi32, #tpu.memory_space<hbm>>) target(%arg5 : memref<16x32xi32, #tpu.memory_space<vmem>>) target_semaphore(%arg14 : memref<!tpu.dma_semaphore, #tpu.memory_space<semaphore_mem>>)
    %min3A_69 = arith.constant 0 : i32
    %min3A_70 = arith.constant 31 : i32
    %min3A_71 = arith.minsi %min3A_69, %min3A_70 : i32
    %mul3A_72 = arith.constant 32 : i32
    %mul3A_73 = arith.muli %min3A_71, %mul3A_72 : i32
    %add3A_74 = arith.addi %select_n3A_58, %mul3A_73 : i32
    %multiple_of3A_75 = tpu.assume_multiple %add3A_74, 32 : i32
    %dma_wait3A = arith.constant 0 : i32
    %dma_wait3A_76 = tpu.memref_slice %arg3[%select_n3A, %dma_wait3A, %multiple_of3A_75] : memref<8x16x4096xi32, #tpu.memory_space<hbm>> -> memref<1x16x32xi32, #tpu.memory_space<hbm>>
    %dma_wait3A_77 = tpu.memref_squeeze %dma_wait3A_76 : memref<1x16x32xi32, #tpu.memory_space<hbm>> -> memref<16x32xi32, #tpu.memory_space<hbm>>
    %dma_wait3A_78 = arith.constant 0 : i32
    %dma_wait3A_79 = tpu.memref_slice %arg3[%select_n3A, %dma_wait3A_78, %multiple_of3A_75] : memref<8x16x4096xi32, #tpu.memory_space<hbm>> -> memref<1x16x32xi32, #tpu.memory_space<hbm>>
    %dma_wait3A_80 = tpu.memref_squeeze %dma_wait3A_79 : memref<1x16x32xi32, #tpu.memory_space<hbm>> -> memref<16x32xi32, #tpu.memory_space<hbm>>
    tpu.wait_dma2 semaphore(%arg14 : memref<!tpu.dma_semaphore, #tpu.memory_space<semaphore_mem>>) src(%dma_wait3A_80 : memref<16x32xi32, #tpu.memory_space<hbm>>) dst(%arg5 : memref<16x32xi32, #tpu.memory_space<vmem>>)
    %iota3A = tpu.iota {dimensions = array<i32: 0>} : vector<16xi32>
    %scan3A = arith.constant 0 : i32
    %scan3A_81 = arith.constant 0 : i32
    %scan3A_82 = arith.constant 32 : i32
    %scan3A_83 = arith.addi %scan3A_81, %scan3A_82 : i32
    %scan3A_84 = arith.constant 1 : i32
    scf.for %scan3A_188 = %scan3A_81 to %scan3A_83 step %scan3A_84  : i32 {
      %and3A_189 = arith.constant 7 : i32
      %and3A_190 = arith.andi %scan3A_188, %and3A_189 : i32
      %mul3A_191 = arith.constant 2 : i32
      %mul3A_192 = arith.muli %and3A_190, %mul3A_191 : i32
      %and3A_193 = arith.constant 1 : i32
      %and3A_194 = vector.broadcast %and3A_193 : i32 to vector<16xi32>
      %and3A_195 = arith.andi %iota3A, %and3A_194 : vector<16xi32>
      %add3A_196 = vector.broadcast %mul3A_192 : i32 to vector<16xi32>
      %add3A_197 = arith.addi %add3A_196, %and3A_195 : vector<16xi32>
      %shift_right_arithmetic3A = arith.constant 3 : i32
      %shift_right_arithmetic3A_198 = arith.shrsi %scan3A_188, %shift_right_arithmetic3A : i32
      %mul3A_199 = arith.constant 8 : i32
      %mul3A_200 = arith.muli %shift_right_arithmetic3A_198, %mul3A_199 : i32
      %shift_right_arithmetic3A_201 = arith.constant 1 : i32
      %shift_right_arithmetic3A_202 = vector.broadcast %shift_right_arithmetic3A_201 : i32 to vector<16xi32>
      %shift_right_arithmetic3A_203 = arith.shrsi %iota3A, %shift_right_arithmetic3A_202 : vector<16xi32>
      %add3A_204 = vector.broadcast %mul3A_200 : i32 to vector<16xi32>
      %add3A_205 = arith.addi %add3A_204, %shift_right_arithmetic3A_203 : vector<16xi32>
      %gather3A = tpu.vector_load_idx %arg5[%add3A_197, %add3A_205] : memref<16x32xi32, #tpu.memory_space<vmem>>[vector<16xi32>, vector<16xi32>], vector<16xi32>,
      %add3A_206 = vector.broadcast %mul3A_20 : i32 to vector<16xi32>
      %add3A_207 = arith.addi %gather3A, %add3A_206 : vector<16xi32>
      %mul3A_208 = arith.constant 16 : i32
      %mul3A_209 = arith.muli %scan3A_188, %mul3A_208 : i32
      %swap3A = arith.index_cast %mul3A_209 : i32 to index
      %swap3A_210 = tpu.vector_load %arg7[%swap3A] {strides = array<i32>} : memref<512xi32, #tpu.memory_space<vmem>>, vector<16xi32>,
      tpu.vector_store %arg7[%swap3A], %add3A_207 {strides = array<i32>} : memref<512xi32, #tpu.memory_space<vmem>>, vector<16xi32>,
    }
    %scan3A_85 = arith.constant 32 : i32
    %dma_start3A_86 = arith.constant 0 : i32
    %dma_start3A_87 = arith.constant 0 : i32
    %dma_start3A_88 = tpu.memref_slice %arg9[%dma_start3A_86, %dma_start3A_87] : memref<512x64xf32, #tpu.memory_space<vmem>> -> memref<64x64xf32, #tpu.memory_space<vmem>>
    %dma_start3A_89 = arith.constant 0 : i32
    %dma_start3A_90 = tpu.memref_slice %arg7[%dma_start3A_89] : memref<512xi32, #tpu.memory_space<vmem>> -> memref<64xi32, #tpu.memory_space<vmem>>
    %dma_start3A_91 = arith.constant 0 : i32
    %dma_start3A_92 = arith.constant 0 : i32
    %dma_start3A_93 = tpu.memref_slice %arg2[%dma_start3A_91, %dma_start3A_92] : memref<32768x64xf32, #tpu.memory_space<hbm>> -> memref<32768x64xf32, #tpu.memory_space<hbm>>
    tpu.enqueue_indirect_dma source(%dma_start3A_93 : memref<32768x64xf32, #tpu.memory_space<hbm>>) target(%dma_start3A_88 : memref<64x64xf32, #tpu.memory_space<vmem>>) offsets(%dma_start3A_90 : memref<64xi32, #tpu.memory_space<vmem>>) semaphore(%arg11 : memref<!tpu.dma_semaphore, #tpu.memory_space<semaphore_mem>>)
    %dma_start3A_94 = arith.constant 64 : i32
    %dma_start3A_95 = arith.constant 0 : i32
    %dma_start3A_96 = tpu.memref_slice %arg9[%dma_start3A_94, %dma_start3A_95] : memref<512x64xf32, #tpu.memory_space<vmem>> -> memref<64x64xf32, #tpu.memory_space<vmem>>
    %dma_start3A_97 = arith.constant 64 : i32
    %dma_start3A_98 = tpu.memref_slice %arg7[%dma_start3A_97] : memref<512xi32, #tpu.memory_space<vmem>> -> memref<64xi32, #tpu.memory_space<vmem>>
    %dma_start3A_99 = arith.constant 0 : i32
    %dma_start3A_100 = arith.constant 0 : i32
    %dma_start3A_101 = tpu.memref_slice %arg2[%dma_start3A_99, %dma_start3A_100] : memref<32768x64xf32, #tpu.memory_space<hbm>> -> memref<32768x64xf32, #tpu.memory_space<hbm>>
    tpu.enqueue_indirect_dma source(%dma_start3A_101 : memref<32768x64xf32, #tpu.memory_space<hbm>>) target(%dma_start3A_96 : memref<64x64xf32, #tpu.memory_space<vmem>>) offsets(%dma_start3A_98 : memref<64xi32, #tpu.memory_space<vmem>>) semaphore(%arg11 : memref<!tpu.dma_semaphore, #tpu.memory_space<semaphore_mem>>)
    %dma_start3A_102 = arith.constant 128 : i32
    %dma_start3A_103 = arith.constant 0 : i32
    %dma_start3A_104 = tpu.memref_slice %arg9[%dma_start3A_102, %dma_start3A_103] : memref<512x64xf32, #tpu.memory_space<vmem>> -> memref<64x64xf32, #tpu.memory_space<vmem>>
    %dma_start3A_105 = arith.constant 128 : i32
    %dma_start3A_106 = tpu.memref_slice %arg7[%dma_start3A_105] : memref<512xi32, #tpu.memory_space<vmem>> -> memref<64xi32, #tpu.memory_space<vmem>>
    %dma_start3A_107 = arith.constant 0 : i32
    %dma_start3A_108 = arith.constant 0 : i32
    %dma_start3A_109 = tpu.memref_slice %arg2[%dma_start3A_107, %dma_start3A_108] : memref<32768x64xf32, #tpu.memory_space<hbm>> -> memref<32768x64xf32, #tpu.memory_space<hbm>>
    tpu.enqueue_indirect_dma source(%dma_start3A_109 : memref<32768x64xf32, #tpu.memory_space<hbm>>) target(%dma_start3A_104 : memref<64x64xf32, #tpu.memory_space<vmem>>) offsets(%dma_start3A_106 : memref<64xi32, #tpu.memory_space<vmem>>) semaphore(%arg11 : memref<!tpu.dma_semaphore, #tpu.memory_space<semaphore_mem>>)
    %dma_start3A_110 = arith.constant 192 : i32
    %dma_start3A_111 = arith.constant 0 : i32
    %dma_start3A_112 = tpu.memref_slice %arg9[%dma_start3A_110, %dma_start3A_111] : memref<512x64xf32, #tpu.memory_space<vmem>> -> memref<64x64xf32, #tpu.memory_space<vmem>>
    %dma_start3A_113 = arith.constant 192 : i32
    %dma_start3A_114 = tpu.memref_slice %arg7[%dma_start3A_113] : memref<512xi32, #tpu.memory_space<vmem>> -> memref<64xi32, #tpu.memory_space<vmem>>
    %dma_start3A_115 = arith.constant 0 : i32
    %dma_start3A_116 = arith.constant 0 : i32
    %dma_start3A_117 = tpu.memref_slice %arg2[%dma_start3A_115, %dma_start3A_116] : memref<32768x64xf32, #tpu.memory_space<hbm>> -> memref<32768x64xf32, #tpu.memory_space<hbm>>
    tpu.enqueue_indirect_dma source(%dma_start3A_117 : memref<32768x64xf32, #tpu.memory_space<hbm>>) target(%dma_start3A_112 : memref<64x64xf32, #tpu.memory_space<vmem>>) offsets(%dma_start3A_114 : memref<64xi32, #tpu.memory_space<vmem>>) semaphore(%arg11 : memref<!tpu.dma_semaphore, #tpu.memory_space<semaphore_mem>>)
    %dma_start3A_118 = arith.constant 256 : i32
    %dma_start3A_119 = arith.constant 0 : i32
    %dma_start3A_120 = tpu.memref_slice %arg9[%dma_start3A_118, %dma_start3A_119] : memref<512x64xf32, #tpu.memory_space<vmem>> -> memref<64x64xf32, #tpu.memory_space<vmem>>
    %dma_start3A_121 = arith.constant 256 : i32
    %dma_start3A_122 = tpu.memref_slice %arg7[%dma_start3A_121] : memref<512xi32, #tpu.memory_space<vmem>> -> memref<64xi32, #tpu.memory_space<vmem>>
    %dma_start3A_123 = arith.constant 0 : i32
    %dma_start3A_124 = arith.constant 0 : i32
    %dma_start3A_125 = tpu.memref_slice %arg2[%dma_start3A_123, %dma_start3A_124] : memref<32768x64xf32, #tpu.memory_space<hbm>> -> memref<32768x64xf32, #tpu.memory_space<hbm>>
    tpu.enqueue_indirect_dma source(%dma_start3A_125 : memref<32768x64xf32, #tpu.memory_space<hbm>>) target(%dma_start3A_120 : memref<64x64xf32, #tpu.memory_space<vmem>>) offsets(%dma_start3A_122 : memref<64xi32, #tpu.memory_space<vmem>>) semaphore(%arg11 : memref<!tpu.dma_semaphore, #tpu.memory_space<semaphore_mem>>)
    %dma_start3A_126 = arith.constant 320 : i32
    %dma_start3A_127 = arith.constant 0 : i32
    %dma_start3A_128 = tpu.memref_slice %arg9[%dma_start3A_126, %dma_start3A_127] : memref<512x64xf32, #tpu.memory_space<vmem>> -> memref<64x64xf32, #tpu.memory_space<vmem>>
    %dma_start3A_129 = arith.constant 320 : i32
    %dma_start3A_130 = tpu.memref_slice %arg7[%dma_start3A_129] : memref<512xi32, #tpu.memory_space<vmem>> -> memref<64xi32, #tpu.memory_space<vmem>>
    %dma_start3A_131 = arith.constant 0 : i32
    %dma_start3A_132 = arith.constant 0 : i32
    %dma_start3A_133 = tpu.memref_slice %arg2[%dma_start3A_131, %dma_start3A_132] : memref<32768x64xf32, #tpu.memory_space<hbm>> -> memref<32768x64xf32, #tpu.memory_space<hbm>>
    tpu.enqueue_indirect_dma source(%dma_start3A_133 : memref<32768x64xf32, #tpu.memory_space<hbm>>) target(%dma_start3A_128 : memref<64x64xf32, #tpu.memory_space<vmem>>) offsets(%dma_start3A_130 : memref<64xi32, #tpu.memory_space<vmem>>) semaphore(%arg11 : memref<!tpu.dma_semaphore, #tpu.memory_space<semaphore_mem>>)
    %dma_start3A_134 = arith.constant 384 : i32
    %dma_start3A_135 = arith.constant 0 : i32
    %dma_start3A_136 = tpu.memref_slice %arg9[%dma_start3A_134, %dma_start3A_135] : memref<512x64xf32, #tpu.memory_space<vmem>> -> memref<64x64xf32, #tpu.memory_space<vmem>>
    %dma_start3A_137 = arith.constant 384 : i32
    %dma_start3A_138 = tpu.memref_slice %arg7[%dma_start3A_137] : memref<512xi32, #tpu.memory_space<vmem>> -> memref<64xi32, #tpu.memory_space<vmem>>
    %dma_start3A_139 = arith.constant 0 : i32
    %dma_start3A_140 = arith.constant 0 : i32
    %dma_start3A_141 = tpu.memref_slice %arg2[%dma_start3A_139, %dma_start3A_140] : memref<32768x64xf32, #tpu.memory_space<hbm>> -> memref<32768x64xf32, #tpu.memory_space<hbm>>
    tpu.enqueue_indirect_dma source(%dma_start3A_141 : memref<32768x64xf32, #tpu.memory_space<hbm>>) target(%dma_start3A_136 : memref<64x64xf32, #tpu.memory_space<vmem>>) offsets(%dma_start3A_138 : memref<64xi32, #tpu.memory_space<vmem>>) semaphore(%arg11 : memref<!tpu.dma_semaphore, #tpu.memory_space<semaphore_mem>>)
    %dma_start3A_142 = arith.constant 448 : i32
    %dma_start3A_143 = arith.constant 0 : i32
    %dma_start3A_144 = tpu.memref_slice %arg9[%dma_start3A_142, %dma_start3A_143] : memref<512x64xf32, #tpu.memory_space<vmem>> -> memref<64x64xf32, #tpu.memory_space<vmem>>
    %dma_start3A_145 = arith.constant 448 : i32
    %dma_start3A_146 = tpu.memref_slice %arg7[%dma_start3A_145] : memref<512xi32, #tpu.memory_space<vmem>> -> memref<64xi32, #tpu.memory_space<vmem>>
    %dma_start3A_147 = arith.constant 0 : i32
    %dma_start3A_148 = arith.constant 0 : i32
    %dma_start3A_149 = tpu.memref_slice %arg2[%dma_start3A_147, %dma_start3A_148] : memref<32768x64xf32, #tpu.memory_space<hbm>> -> memref<32768x64xf32, #tpu.memory_space<hbm>>
    tpu.enqueue_indirect_dma source(%dma_start3A_149 : memref<32768x64xf32, #tpu.memory_space<hbm>>) target(%dma_start3A_144 : memref<64x64xf32, #tpu.memory_space<vmem>>) offsets(%dma_start3A_146 : memref<64xi32, #tpu.memory_space<vmem>>) semaphore(%arg11 : memref<!tpu.dma_semaphore, #tpu.memory_space<semaphore_mem>>)
    %min3A_150 = arith.constant 1 : i32
    %min3A_151 = arith.constant 31 : i32
    %min3A_152 = arith.minsi %min3A_150, %min3A_151 : i32
    %mul3A_153 = arith.constant 32 : i32
    %mul3A_154 = arith.muli %min3A_152, %mul3A_153 : i32
    %add3A_155 = arith.addi %select_n3A_58, %mul3A_154 : i32
    %multiple_of3A_156 = tpu.assume_multiple %add3A_155, 32 : i32
    %dma_start3A_157 = arith.constant 0 : i32
    %dma_start3A_158 = tpu.memref_slice %arg3[%select_n3A, %dma_start3A_157, %multiple_of3A_156] : memref<8x16x4096xi32, #tpu.memory_space<hbm>> -> memref<1x16x32xi32, #tpu.memory_space<hbm>>
    %dma_start3A_159 = tpu.memref_squeeze %dma_start3A_158 : memref<1x16x32xi32, #tpu.memory_space<hbm>> -> memref<16x32xi32, #tpu.memory_space<hbm>>
    %dma_start3A_160 = arith.constant 0 : i32
    %dma_start3A_161 = tpu.memref_slice %arg3[%select_n3A, %dma_start3A_160, %multiple_of3A_156] : memref<8x16x4096xi32, #tpu.memory_space<hbm>> -> memref<1x16x32xi32, #tpu.memory_space<hbm>>
    %dma_start3A_162 = tpu.memref_squeeze %dma_start3A_161 : memref<1x16x32xi32, #tpu.memory_space<hbm>> -> memref<16x32xi32, #tpu.memory_space<hbm>>
    tpu.enqueue_dma source(%dma_start3A_162 : memref<16x32xi32, #tpu.memory_space<hbm>>) target(%arg6 : memref<16x32xi32, #tpu.memory_space<vmem>>) target_semaphore(%arg14 : memref<!tpu.dma_semaphore, #tpu.memory_space<semaphore_mem>>)
    %scan3A_163 = arith.constant 0 : i32
    %scan3A_164 = arith.constant 0 : i32
    %scan3A_165 = arith.constant 16 : i32
    %scan3A_166 = arith.addi %scan3A_164, %scan3A_165 : i32
    %scan3A_167 = arith.constant 1 : i32
    scf.for %scan3A_188 = %scan3A_164 to %scan3A_166 step %scan3A_167  : i32 {
      %mul3A_189 = arith.constant 2 : i32
      %mul3A_190 = arith.muli %mul3A_189, %scan3A_188 : i32
      %add3A_191 = arith.constant 1 : i32
      %add3A_192 = arith.addi %mul3A_190, %add3A_191 : i32
      %min3A_193 = arith.constant 31 : i32
      %min3A_194 = arith.minsi %add3A_192, %min3A_193 : i32
      %mul3A_195 = arith.constant 32 : i32
      %mul3A_196 = arith.muli %min3A_194, %mul3A_195 : i32
      %add3A_197 = arith.addi %select_n3A_58, %mul3A_196 : i32
      %multiple_of3A_198 = tpu.assume_multiple %add3A_197, 32 : i32
      %dma_wait3A_199 = arith.constant 0 : i32
      %dma_wait3A_200 = tpu.memref_slice %arg3[%select_n3A, %dma_wait3A_199, %multiple_of3A_198] : memref<8x16x4096xi32, #tpu.memory_space<hbm>> -> memref<1x16x32xi32, #tpu.memory_space<hbm>>
      %dma_wait3A_201 = tpu.memref_squeeze %dma_wait3A_200 : memref<1x16x32xi32, #tpu.memory_space<hbm>> -> memref<16x32xi32, #tpu.memory_space<hbm>>
      %dma_wait3A_202 = arith.constant 0 : i32
      %dma_wait3A_203 = tpu.memref_slice %arg3[%select_n3A, %dma_wait3A_202, %multiple_of3A_198] : memref<8x16x4096xi32, #tpu.memory_space<hbm>> -> memref<1x16x32xi32, #tpu.memory_space<hbm>>
      %dma_wait3A_204 = tpu.memref_squeeze %dma_wait3A_203 : memref<1x16x32xi32, #tpu.memory_space<hbm>> -> memref<16x32xi32, #tpu.memory_space<hbm>>
      tpu.wait_dma2 semaphore(%arg14 : memref<!tpu.dma_semaphore, #tpu.memory_space<semaphore_mem>>) src(%dma_wait3A_204 : memref<16x32xi32, #tpu.memory_space<hbm>>) dst(%arg6 : memref<16x32xi32, #tpu.memory_space<vmem>>)
      %add3A_205 = arith.constant 2 : i32
      %add3A_206 = arith.addi %mul3A_190, %add3A_205 : i32
      %min3A_207 = arith.constant 31 : i32
      %min3A_208 = arith.minsi %add3A_206, %min3A_207 : i32
      %mul3A_209 = arith.constant 32 : i32
      %mul3A_210 = arith.muli %min3A_208, %mul3A_209 : i32
      %add3A_211 = arith.addi %select_n3A_58, %mul3A_210 : i32
      %multiple_of3A_212 = tpu.assume_multiple %add3A_211, 32 : i32
      %dma_start3A_213 = arith.constant 0 : i32
      %dma_start3A_214 = tpu.memref_slice %arg3[%select_n3A, %dma_start3A_213, %multiple_of3A_212] : memref<8x16x4096xi32, #tpu.memory_space<hbm>> -> memref<1x16x32xi32, #tpu.memory_space<hbm>>
      %dma_start3A_215 = tpu.memref_squeeze %dma_start3A_214 : memref<1x16x32xi32, #tpu.memory_space<hbm>> -> memref<16x32xi32, #tpu.memory_space<hbm>>
      %dma_start3A_216 = arith.constant 0 : i32
      %dma_start3A_217 = tpu.memref_slice %arg3[%select_n3A, %dma_start3A_216, %multiple_of3A_212] : memref<8x16x4096xi32, #tpu.memory_space<hbm>> -> memref<1x16x32xi32, #tpu.memory_space<hbm>>
      %dma_start3A_218 = tpu.memref_squeeze %dma_start3A_217 : memref<1x16x32xi32, #tpu.memory_space<hbm>> -> memref<16x32xi32, #tpu.memory_space<hbm>>
      tpu.enqueue_dma source(%dma_start3A_218 : memref<16x32xi32, #tpu.memory_space<hbm>>) target(%arg5 : memref<16x32xi32, #tpu.memory_space<vmem>>) target_semaphore(%arg14 : memref<!tpu.dma_semaphore, #tpu.memory_space<semaphore_mem>>)
      %iota3A_219 = tpu.iota {dimensions = array<i32: 0>} : vector<16xi32>
      %scan3A_220 = arith.constant 0 : i32
      %scan3A_221 = arith.constant 0 : i32
      %scan3A_222 = arith.constant 32 : i32
      %scan3A_223 = arith.addi %scan3A_221, %scan3A_222 : i32
      %scan3A_224 = arith.constant 1 : i32
      scf.for %scan3A_428 = %scan3A_221 to %scan3A_223 step %scan3A_224  : i32 {
        %and3A_429 = arith.constant 7 : i32
        %and3A_430 = arith.andi %scan3A_428, %and3A_429 : i32
        %mul3A_431 = arith.constant 2 : i32
        %mul3A_432 = arith.muli %and3A_430, %mul3A_431 : i32
        %and3A_433 = arith.constant 1 : i32
        %and3A_434 = vector.broadcast %and3A_433 : i32 to vector<16xi32>
        %and3A_435 = arith.andi %iota3A_219, %and3A_434 : vector<16xi32>
        %add3A_436 = vector.broadcast %mul3A_432 : i32 to vector<16xi32>
        %add3A_437 = arith.addi %add3A_436, %and3A_435 : vector<16xi32>
        %shift_right_arithmetic3A = arith.constant 3 : i32
        %shift_right_arithmetic3A_438 = arith.shrsi %scan3A_428, %shift_right_arithmetic3A : i32
        %mul3A_439 = arith.constant 8 : i32
        %mul3A_440 = arith.muli %shift_right_arithmetic3A_438, %mul3A_439 : i32
        %shift_right_arithmetic3A_441 = arith.constant 1 : i32
        %shift_right_arithmetic3A_442 = vector.broadcast %shift_right_arithmetic3A_441 : i32 to vector<16xi32>
        %shift_right_arithmetic3A_443 = arith.shrsi %iota3A_219, %shift_right_arithmetic3A_442 : vector<16xi32>
        %add3A_444 = vector.broadcast %mul3A_440 : i32 to vector<16xi32>
        %add3A_445 = arith.addi %add3A_444, %shift_right_arithmetic3A_443 : vector<16xi32>
        %gather3A = tpu.vector_load_idx %arg6[%add3A_437, %add3A_445] : memref<16x32xi32, #tpu.memory_space<vmem>>[vector<16xi32>, vector<16xi32>], vector<16xi32>,
        %add3A_446 = vector.broadcast %mul3A_20 : i32 to vector<16xi32>
        %add3A_447 = arith.addi %gather3A, %add3A_446 : vector<16xi32>
        %mul3A_448 = arith.constant 16 : i32
        %mul3A_449 = arith.muli %scan3A_428, %mul3A_448 : i32
        %swap3A = arith.index_cast %mul3A_449 : i32 to index
        %swap3A_450 = tpu.vector_load %arg8[%swap3A] {strides = array<i32>} : memref<512xi32, #tpu.memory_space<vmem>>, vector<16xi32>,
        tpu.vector_store %arg8[%swap3A], %add3A_447 {strides = array<i32>} : memref<512xi32, #tpu.memory_space<vmem>>, vector<16xi32>,
      }
      %scan3A_225 = arith.constant 32 : i32
      %gt3A = arith.constant 0 : i32
      %gt3A_226 = arith.cmpi sgt, %mul3A_190, %gt3A : i32
      %convert_element_type3A = arith.extui %gt3A_226 : i1 to i32
      %cond3A = arith.constant 0 : i32
      %cond3A_227 = arith.cmpi ne, %convert_element_type3A, %cond3A : i32
      scf.if %cond3A_227 {
        %sub3A_428 = arith.constant 1 : i32
        %sub3A_429 = arith.subi %mul3A_190, %sub3A_428 : i32
        %mul3A_430 = arith.constant 512 : i32
        %mul3A_431 = arith.muli %sub3A_429, %mul3A_430 : i32
        %add3A_432 = arith.addi %mul3A_2, %mul3A_431 : i32
        %dma_wait3A_433 = arith.constant 0 : i32
        %dma_wait3A_434 = tpu.memref_slice %arg4[%add3A_432, %dma_wait3A_433] : memref<524288x64xf32, #tpu.memory_space<hbm>> -> memref<512x64xf32, #tpu.memory_space<hbm>>
        %dma_wait3A_435 = arith.constant 0 : i32
        %dma_wait3A_436 = tpu.memref_slice %arg4[%add3A_432, %dma_wait3A_435] : memref<524288x64xf32, #tpu.memory_space<hbm>> -> memref<512x64xf32, #tpu.memory_space<hbm>>
        tpu.wait_dma2 semaphore(%arg13 : memref<!tpu.dma_semaphore, #tpu.memory_space<semaphore_mem>>) src(%arg10 : memref<512x64xf32, #tpu.memory_space<vmem>>) dst(%dma_wait3A_436 : memref<512x64xf32, #tpu.memory_space<hbm>>)
      } else {
      }
      %add3A_228 = arith.constant 1 : i32
      %add3A_229 = arith.addi %mul3A_190, %add3A_228 : i32
      %lt3A_230 = arith.constant 32 : i32
      %lt3A_231 = arith.cmpi slt, %add3A_229, %lt3A_230 : i32
      %convert_element_type3A_232 = arith.extui %lt3A_231 : i1 to i32
      %cond3A_233 = arith.constant 0 : i32
      %cond3A_234 = arith.cmpi ne, %convert_element_type3A_232, %cond3A_233 : i32
      scf.if %cond3A_234 {
        %dma_start3A_428 = arith.constant 0 : i32
        %dma_start3A_429 = arith.constant 0 : i32
        %dma_start3A_430 = tpu.memref_slice %arg10[%dma_start3A_428, %dma_start3A_429] : memref<512x64xf32, #tpu.memory_space<vmem>> -> memref<64x64xf32, #tpu.memory_space<vmem>>
        %dma_start3A_431 = arith.constant 0 : i32
        %dma_start3A_432 = tpu.memref_slice %arg8[%dma_start3A_431] : memref<512xi32, #tpu.memory_space<vmem>> -> memref<64xi32, #tpu.memory_space<vmem>>
        %dma_start3A_433 = arith.constant 0 : i32
        %dma_start3A_434 = arith.constant 0 : i32
        %dma_start3A_435 = tpu.memref_slice %arg2[%dma_start3A_433, %dma_start3A_434] : memref<32768x64xf32, #tpu.memory_space<hbm>> -> memref<32768x64xf32, #tpu.memory_space<hbm>>
        tpu.enqueue_indirect_dma source(%dma_start3A_435 : memref<32768x64xf32, #tpu.memory_space<hbm>>) target(%dma_start3A_430 : memref<64x64xf32, #tpu.memory_space<vmem>>) offsets(%dma_start3A_432 : memref<64xi32, #tpu.memory_space<vmem>>) semaphore(%arg12 : memref<!tpu.dma_semaphore, #tpu.memory_space<semaphore_mem>>)
        %dma_start3A_436 = arith.constant 64 : i32
        %dma_start3A_437 = arith.constant 0 : i32
        %dma_start3A_438 = tpu.memref_slice %arg10[%dma_start3A_436, %dma_start3A_437] : memref<512x64xf32, #tpu.memory_space<vmem>> -> memref<64x64xf32, #tpu.memory_space<vmem>>
        %dma_start3A_439 = arith.constant 64 : i32
        %dma_start3A_440 = tpu.memref_slice %arg8[%dma_start3A_439] : memref<512xi32, #tpu.memory_space<vmem>> -> memref<64xi32, #tpu.memory_space<vmem>>
        %dma_start3A_441 = arith.constant 0 : i32
        %dma_start3A_442 = arith.constant 0 : i32
        %dma_start3A_443 = tpu.memref_slice %arg2[%dma_start3A_441, %dma_start3A_442] : memref<32768x64xf32, #tpu.memory_space<hbm>> -> memref<32768x64xf32, #tpu.memory_space<hbm>>
        tpu.enqueue_indirect_dma source(%dma_start3A_443 : memref<32768x64xf32, #tpu.memory_space<hbm>>) target(%dma_start3A_438 : memref<64x64xf32, #tpu.memory_space<vmem>>) offsets(%dma_start3A_440 : memref<64xi32, #tpu.memory_space<vmem>>) semaphore(%arg12 : memref<!tpu.dma_semaphore, #tpu.memory_space<semaphore_mem>>)
        %dma_start3A_444 = arith.constant 128 : i32
        %dma_start3A_445 = arith.constant 0 : i32
        %dma_start3A_446 = tpu.memref_slice %arg10[%dma_start3A_444, %dma_start3A_445] : memref<512x64xf32, #tpu.memory_space<vmem>> -> memref<64x64xf32, #tpu.memory_space<vmem>>
        %dma_start3A_447 = arith.constant 128 : i32
        %dma_start3A_448 = tpu.memref_slice %arg8[%dma_start3A_447] : memref<512xi32, #tpu.memory_space<vmem>> -> memref<64xi32, #tpu.memory_space<vmem>>
        %dma_start3A_449 = arith.constant 0 : i32
        %dma_start3A_450 = arith.constant 0 : i32
        %dma_start3A_451 = tpu.memref_slice %arg2[%dma_start3A_449, %dma_start3A_450] : memref<32768x64xf32, #tpu.memory_space<hbm>> -> memref<32768x64xf32, #tpu.memory_space<hbm>>
        tpu.enqueue_indirect_dma source(%dma_start3A_451 : memref<32768x64xf32, #tpu.memory_space<hbm>>) target(%dma_start3A_446 : memref<64x64xf32, #tpu.memory_space<vmem>>) offsets(%dma_start3A_448 : memref<64xi32, #tpu.memory_space<vmem>>) semaphore(%arg12 : memref<!tpu.dma_semaphore, #tpu.memory_space<semaphore_mem>>)
        %dma_start3A_452 = arith.constant 192 : i32
        %dma_start3A_453 = arith.constant 0 : i32
        %dma_start3A_454 = tpu.memref_slice %arg10[%dma_start3A_452, %dma_start3A_453] : memref<512x64xf32, #tpu.memory_space<vmem>> -> memref<64x64xf32, #tpu.memory_space<vmem>>
        %dma_start3A_455 = arith.constant 192 : i32
        %dma_start3A_456 = tpu.memref_slice %arg8[%dma_start3A_455] : memref<512xi32, #tpu.memory_space<vmem>> -> memref<64xi32, #tpu.memory_space<vmem>>
        %dma_start3A_457 = arith.constant 0 : i32
        %dma_start3A_458 = arith.constant 0 : i32
        %dma_start3A_459 = tpu.memref_slice %arg2[%dma_start3A_457, %dma_start3A_458] : memref<32768x64xf32, #tpu.memory_space<hbm>> -> memref<32768x64xf32, #tpu.memory_space<hbm>>
        tpu.enqueue_indirect_dma source(%dma_start3A_459 : memref<32768x64xf32, #tpu.memory_space<hbm>>) target(%dma_start3A_454 : memref<64x64xf32, #tpu.memory_space<vmem>>) offsets(%dma_start3A_456 : memref<64xi32, #tpu.memory_space<vmem>>) semaphore(%arg12 : memref<!tpu.dma_semaphore, #tpu.memory_space<semaphore_mem>>)
        %dma_start3A_460 = arith.constant 256 : i32
        %dma_start3A_461 = arith.constant 0 : i32
        %dma_start3A_462 = tpu.memref_slice %arg10[%dma_start3A_460, %dma_start3A_461] : memref<512x64xf32, #tpu.memory_space<vmem>> -> memref<64x64xf32, #tpu.memory_space<vmem>>
        %dma_start3A_463 = arith.constant 256 : i32
        %dma_start3A_464 = tpu.memref_slice %arg8[%dma_start3A_463] : memref<512xi32, #tpu.memory_space<vmem>> -> memref<64xi32, #tpu.memory_space<vmem>>
        %dma_start3A_465 = arith.constant 0 : i32
        %dma_start3A_466 = arith.constant 0 : i32
        %dma_start3A_467 = tpu.memref_slice %arg2[%dma_start3A_465, %dma_start3A_466] : memref<32768x64xf32, #tpu.memory_space<hbm>> -> memref<32768x64xf32, #tpu.memory_space<hbm>>
        tpu.enqueue_indirect_dma source(%dma_start3A_467 : memref<32768x64xf32, #tpu.memory_space<hbm>>) target(%dma_start3A_462 : memref<64x64xf32, #tpu.memory_space<vmem>>) offsets(%dma_start3A_464 : memref<64xi32, #tpu.memory_space<vmem>>) semaphore(%arg12 : memref<!tpu.dma_semaphore, #tpu.memory_space<semaphore_mem>>)
        %dma_start3A_468 = arith.constant 320 : i32
        %dma_start3A_469 = arith.constant 0 : i32
        %dma_start3A_470 = tpu.memref_slice %arg10[%dma_start3A_468, %dma_start3A_469] : memref<512x64xf32, #tpu.memory_space<vmem>> -> memref<64x64xf32, #tpu.memory_space<vmem>>
        %dma_start3A_471 = arith.constant 320 : i32
        %dma_start3A_472 = tpu.memref_slice %arg8[%dma_start3A_471] : memref<512xi32, #tpu.memory_space<vmem>> -> memref<64xi32, #tpu.memory_space<vmem>>
        %dma_start3A_473 = arith.constant 0 : i32
        %dma_start3A_474 = arith.constant 0 : i32
        %dma_start3A_475 = tpu.memref_slice %arg2[%dma_start3A_473, %dma_start3A_474] : memref<32768x64xf32, #tpu.memory_space<hbm>> -> memref<32768x64xf32, #tpu.memory_space<hbm>>
        tpu.enqueue_indirect_dma source(%dma_start3A_475 : memref<32768x64xf32, #tpu.memory_space<hbm>>) target(%dma_start3A_470 : memref<64x64xf32, #tpu.memory_space<vmem>>) offsets(%dma_start3A_472 : memref<64xi32, #tpu.memory_space<vmem>>) semaphore(%arg12 : memref<!tpu.dma_semaphore, #tpu.memory_space<semaphore_mem>>)
        %dma_start3A_476 = arith.constant 384 : i32
        %dma_start3A_477 = arith.constant 0 : i32
        %dma_start3A_478 = tpu.memref_slice %arg10[%dma_start3A_476, %dma_start3A_477] : memref<512x64xf32, #tpu.memory_space<vmem>> -> memref<64x64xf32, #tpu.memory_space<vmem>>
        %dma_start3A_479 = arith.constant 384 : i32
        %dma_start3A_480 = tpu.memref_slice %arg8[%dma_start3A_479] : memref<512xi32, #tpu.memory_space<vmem>> -> memref<64xi32, #tpu.memory_space<vmem>>
        %dma_start3A_481 = arith.constant 0 : i32
        %dma_start3A_482 = arith.constant 0 : i32
        %dma_start3A_483 = tpu.memref_slice %arg2[%dma_start3A_481, %dma_start3A_482] : memref<32768x64xf32, #tpu.memory_space<hbm>> -> memref<32768x64xf32, #tpu.memory_space<hbm>>
        tpu.enqueue_indirect_dma source(%dma_start3A_483 : memref<32768x64xf32, #tpu.memory_space<hbm>>) target(%dma_start3A_478 : memref<64x64xf32, #tpu.memory_space<vmem>>) offsets(%dma_start3A_480 : memref<64xi32, #tpu.memory_space<vmem>>) semaphore(%arg12 : memref<!tpu.dma_semaphore, #tpu.memory_space<semaphore_mem>>)
        %dma_start3A_484 = arith.constant 448 : i32
        %dma_start3A_485 = arith.constant 0 : i32
        %dma_start3A_486 = tpu.memref_slice %arg10[%dma_start3A_484, %dma_start3A_485] : memref<512x64xf32, #tpu.memory_space<vmem>> -> memref<64x64xf32, #tpu.memory_space<vmem>>
        %dma_start3A_487 = arith.constant 448 : i32
        %dma_start3A_488 = tpu.memref_slice %arg8[%dma_start3A_487] : memref<512xi32, #tpu.memory_space<vmem>> -> memref<64xi32, #tpu.memory_space<vmem>>
        %dma_start3A_489 = arith.constant 0 : i32
        %dma_start3A_490 = arith.constant 0 : i32
        %dma_start3A_491 = tpu.memref_slice %arg2[%dma_start3A_489, %dma_start3A_490] : memref<32768x64xf32, #tpu.memory_space<hbm>> -> memref<32768x64xf32, #tpu.memory_space<hbm>>
        tpu.enqueue_indirect_dma source(%dma_start3A_491 : memref<32768x64xf32, #tpu.memory_space<hbm>>) target(%dma_start3A_486 : memref<64x64xf32, #tpu.memory_space<vmem>>) offsets(%dma_start3A_488 : memref<64xi32, #tpu.memory_space<vmem>>) semaphore(%arg12 : memref<!tpu.dma_semaphore, #tpu.memory_space<semaphore_mem>>)
      } else {
      }
      %dma_wait3A_235 = arith.constant 0 : i32
      %dma_wait3A_236 = arith.constant 0 : i32
      %dma_wait3A_237 = tpu.memref_slice %arg9[%dma_wait3A_235, %dma_wait3A_236] : memref<512x64xf32, #tpu.memory_space<vmem>> -> memref<64x64xf32, #tpu.memory_space<vmem>>
      %dma_wait3A_238 = arith.constant 0 : i32
      %dma_wait3A_239 = tpu.memref_slice %arg7[%dma_wait3A_238] : memref<512xi32, #tpu.memory_space<vmem>> -> memref<64xi32, #tpu.memory_space<vmem>>
      %dma_wait3A_240 = arith.constant 0 : i32
      %dma_wait3A_241 = arith.constant 0 : i32
      %dma_wait3A_242 = tpu.memref_slice %arg2[%dma_wait3A_240, %dma_wait3A_241] : memref<32768x64xf32, #tpu.memory_space<hbm>> -> memref<32768x64xf32, #tpu.memory_space<hbm>>
      tpu.wait_indirect_dma semaphore(%arg11 : memref<!tpu.dma_semaphore, #tpu.memory_space<semaphore_mem>>) src(%dma_wait3A_242 : memref<32768x64xf32, #tpu.memory_space<hbm>>) dst(%dma_wait3A_237 : memref<64x64xf32, #tpu.memory_space<vmem>>)
      %dma_wait3A_243 = arith.constant 64 : i32
      %dma_wait3A_244 = arith.constant 0 : i32
      %dma_wait3A_245 = tpu.memref_slice %arg9[%dma_wait3A_243, %dma_wait3A_244] : memref<512x64xf32, #tpu.memory_space<vmem>> -> memref<64x64xf32, #tpu.memory_space<vmem>>
      %dma_wait3A_246 = arith.constant 64 : i32
      %dma_wait3A_247 = tpu.memref_slice %arg7[%dma_wait3A_246] : memref<512xi32, #tpu.memory_space<vmem>> -> memref<64xi32, #tpu.memory_space<vmem>>
      %dma_wait3A_248 = arith.constant 0 : i32
      %dma_wait3A_249 = arith.constant 0 : i32
      %dma_wait3A_250 = tpu.memref_slice %arg2[%dma_wait3A_248, %dma_wait3A_249] : memref<32768x64xf32, #tpu.memory_space<hbm>> -> memref<32768x64xf32, #tpu.memory_space<hbm>>
      tpu.wait_indirect_dma semaphore(%arg11 : memref<!tpu.dma_semaphore, #tpu.memory_space<semaphore_mem>>) src(%dma_wait3A_250 : memref<32768x64xf32, #tpu.memory_space<hbm>>) dst(%dma_wait3A_245 : memref<64x64xf32, #tpu.memory_space<vmem>>)
      %dma_wait3A_251 = arith.constant 128 : i32
      %dma_wait3A_252 = arith.constant 0 : i32
      %dma_wait3A_253 = tpu.memref_slice %arg9[%dma_wait3A_251, %dma_wait3A_252] : memref<512x64xf32, #tpu.memory_space<vmem>> -> memref<64x64xf32, #tpu.memory_space<vmem>>
      %dma_wait3A_254 = arith.constant 128 : i32
      %dma_wait3A_255 = tpu.memref_slice %arg7[%dma_wait3A_254] : memref<512xi32, #tpu.memory_space<vmem>> -> memref<64xi32, #tpu.memory_space<vmem>>
      %dma_wait3A_256 = arith.constant 0 : i32
      %dma_wait3A_257 = arith.constant 0 : i32
      %dma_wait3A_258 = tpu.memref_slice %arg2[%dma_wait3A_256, %dma_wait3A_257] : memref<32768x64xf32, #tpu.memory_space<hbm>> -> memref<32768x64xf32, #tpu.memory_space<hbm>>
      tpu.wait_indirect_dma semaphore(%arg11 : memref<!tpu.dma_semaphore, #tpu.memory_space<semaphore_mem>>) src(%dma_wait3A_258 : memref<32768x64xf32, #tpu.memory_space<hbm>>) dst(%dma_wait3A_253 : memref<64x64xf32, #tpu.memory_space<vmem>>)
      %dma_wait3A_259 = arith.constant 192 : i32
      %dma_wait3A_260 = arith.constant 0 : i32
      %dma_wait3A_261 = tpu.memref_slice %arg9[%dma_wait3A_259, %dma_wait3A_260] : memref<512x64xf32, #tpu.memory_space<vmem>> -> memref<64x64xf32, #tpu.memory_space<vmem>>
      %dma_wait3A_262 = arith.constant 192 : i32
      %dma_wait3A_263 = tpu.memref_slice %arg7[%dma_wait3A_262] : memref<512xi32, #tpu.memory_space<vmem>> -> memref<64xi32, #tpu.memory_space<vmem>>
      %dma_wait3A_264 = arith.constant 0 : i32
      %dma_wait3A_265 = arith.constant 0 : i32
      %dma_wait3A_266 = tpu.memref_slice %arg2[%dma_wait3A_264, %dma_wait3A_265] : memref<32768x64xf32, #tpu.memory_space<hbm>> -> memref<32768x64xf32, #tpu.memory_space<hbm>>
      tpu.wait_indirect_dma semaphore(%arg11 : memref<!tpu.dma_semaphore, #tpu.memory_space<semaphore_mem>>) src(%dma_wait3A_266 : memref<32768x64xf32, #tpu.memory_space<hbm>>) dst(%dma_wait3A_261 : memref<64x64xf32, #tpu.memory_space<vmem>>)
      %dma_wait3A_267 = arith.constant 256 : i32
      %dma_wait3A_268 = arith.constant 0 : i32
      %dma_wait3A_269 = tpu.memref_slice %arg9[%dma_wait3A_267, %dma_wait3A_268] : memref<512x64xf32, #tpu.memory_space<vmem>> -> memref<64x64xf32, #tpu.memory_space<vmem>>
      %dma_wait3A_270 = arith.constant 256 : i32
      %dma_wait3A_271 = tpu.memref_slice %arg7[%dma_wait3A_270] : memref<512xi32, #tpu.memory_space<vmem>> -> memref<64xi32, #tpu.memory_space<vmem>>
      %dma_wait3A_272 = arith.constant 0 : i32
      %dma_wait3A_273 = arith.constant 0 : i32
      %dma_wait3A_274 = tpu.memref_slice %arg2[%dma_wait3A_272, %dma_wait3A_273] : memref<32768x64xf32, #tpu.memory_space<hbm>> -> memref<32768x64xf32, #tpu.memory_space<hbm>>
      tpu.wait_indirect_dma semaphore(%arg11 : memref<!tpu.dma_semaphore, #tpu.memory_space<semaphore_mem>>) src(%dma_wait3A_274 : memref<32768x64xf32, #tpu.memory_space<hbm>>) dst(%dma_wait3A_269 : memref<64x64xf32, #tpu.memory_space<vmem>>)
      %dma_wait3A_275 = arith.constant 320 : i32
      %dma_wait3A_276 = arith.constant 0 : i32
      %dma_wait3A_277 = tpu.memref_slice %arg9[%dma_wait3A_275, %dma_wait3A_276] : memref<512x64xf32, #tpu.memory_space<vmem>> -> memref<64x64xf32, #tpu.memory_space<vmem>>
      %dma_wait3A_278 = arith.constant 320 : i32
      %dma_wait3A_279 = tpu.memref_slice %arg7[%dma_wait3A_278] : memref<512xi32, #tpu.memory_space<vmem>> -> memref<64xi32, #tpu.memory_space<vmem>>
      %dma_wait3A_280 = arith.constant 0 : i32
      %dma_wait3A_281 = arith.constant 0 : i32
      %dma_wait3A_282 = tpu.memref_slice %arg2[%dma_wait3A_280, %dma_wait3A_281] : memref<32768x64xf32, #tpu.memory_space<hbm>> -> memref<32768x64xf32, #tpu.memory_space<hbm>>
      tpu.wait_indirect_dma semaphore(%arg11 : memref<!tpu.dma_semaphore, #tpu.memory_space<semaphore_mem>>) src(%dma_wait3A_282 : memref<32768x64xf32, #tpu.memory_space<hbm>>) dst(%dma_wait3A_277 : memref<64x64xf32, #tpu.memory_space<vmem>>)
      %dma_wait3A_283 = arith.constant 384 : i32
      %dma_wait3A_284 = arith.constant 0 : i32
      %dma_wait3A_285 = tpu.memref_slice %arg9[%dma_wait3A_283, %dma_wait3A_284] : memref<512x64xf32, #tpu.memory_space<vmem>> -> memref<64x64xf32, #tpu.memory_space<vmem>>
      %dma_wait3A_286 = arith.constant 384 : i32
      %dma_wait3A_287 = tpu.memref_slice %arg7[%dma_wait3A_286] : memref<512xi32, #tpu.memory_space<vmem>> -> memref<64xi32, #tpu.memory_space<vmem>>
      %dma_wait3A_288 = arith.constant 0 : i32
      %dma_wait3A_289 = arith.constant 0 : i32
      %dma_wait3A_290 = tpu.memref_slice %arg2[%dma_wait3A_288, %dma_wait3A_289] : memref<32768x64xf32, #tpu.memory_space<hbm>> -> memref<32768x64xf32, #tpu.memory_space<hbm>>
      tpu.wait_indirect_dma semaphore(%arg11 : memref<!tpu.dma_semaphore, #tpu.memory_space<semaphore_mem>>) src(%dma_wait3A_290 : memref<32768x64xf32, #tpu.memory_space<hbm>>) dst(%dma_wait3A_285 : memref<64x64xf32, #tpu.memory_space<vmem>>)
      %dma_wait3A_291 = arith.constant 448 : i32
      %dma_wait3A_292 = arith.constant 0 : i32
      %dma_wait3A_293 = tpu.memref_slice %arg9[%dma_wait3A_291, %dma_wait3A_292] : memref<512x64xf32, #tpu.memory_space<vmem>> -> memref<64x64xf32, #tpu.memory_space<vmem>>
      %dma_wait3A_294 = arith.constant 448 : i32
      %dma_wait3A_295 = tpu.memref_slice %arg7[%dma_wait3A_294] : memref<512xi32, #tpu.memory_space<vmem>> -> memref<64xi32, #tpu.memory_space<vmem>>
      %dma_wait3A_296 = arith.constant 0 : i32
      %dma_wait3A_297 = arith.constant 0 : i32
      %dma_wait3A_298 = tpu.memref_slice %arg2[%dma_wait3A_296, %dma_wait3A_297] : memref<32768x64xf32, #tpu.memory_space<hbm>> -> memref<32768x64xf32, #tpu.memory_space<hbm>>
      tpu.wait_indirect_dma semaphore(%arg11 : memref<!tpu.dma_semaphore, #tpu.memory_space<semaphore_mem>>) src(%dma_wait3A_298 : memref<32768x64xf32, #tpu.memory_space<hbm>>) dst(%dma_wait3A_293 : memref<64x64xf32, #tpu.memory_space<vmem>>)
      %mul3A_299 = arith.constant 512 : i32
      %mul3A_300 = arith.muli %mul3A_190, %mul3A_299 : i32
      %add3A_301 = arith.addi %mul3A_2, %mul3A_300 : i32
      %dma_start3A_302 = arith.constant 0 : i32
      %dma_start3A_303 = tpu.memref_slice %arg4[%add3A_301, %dma_start3A_302] : memref<524288x64xf32, #tpu.memory_space<hbm>> -> memref<512x64xf32, #tpu.memory_space<hbm>>
      %dma_start3A_304 = arith.constant 0 : i32
      %dma_start3A_305 = tpu.memref_slice %arg4[%add3A_301, %dma_start3A_304] : memref<524288x64xf32, #tpu.memory_space<hbm>> -> memref<512x64xf32, #tpu.memory_space<hbm>>
      tpu.enqueue_dma source(%arg9 : memref<512x64xf32, #tpu.memory_space<vmem>>) target(%dma_start3A_305 : memref<512x64xf32, #tpu.memory_space<hbm>>) target_semaphore(%arg13 : memref<!tpu.dma_semaphore, #tpu.memory_space<semaphore_mem>>)
      %mul3A_306 = arith.constant 2 : i32
      %mul3A_307 = arith.muli %mul3A_306, %scan3A_188 : i32
      %add3A_308 = arith.constant 1 : i32
      %add3A_309 = arith.addi %mul3A_307, %add3A_308 : i32
      %add3A_310 = arith.constant 1 : i32
      %add3A_311 = arith.addi %add3A_309, %add3A_310 : i32
      %min3A_312 = arith.constant 31 : i32
      %min3A_313 = arith.minsi %add3A_311, %min3A_312 : i32
      %mul3A_314 = arith.constant 32 : i32
      %mul3A_315 = arith.muli %min3A_313, %mul3A_314 : i32
      %add3A_316 = arith.addi %select_n3A_58, %mul3A_315 : i32
      %multiple_of3A_317 = tpu.assume_multiple %add3A_316, 32 : i32
      %dma_wait3A_318 = arith.constant 0 : i32
      %dma_wait3A_319 = tpu.memref_slice %arg3[%select_n3A, %dma_wait3A_318, %multiple_of3A_317] : memref<8x16x4096xi32, #tpu.memory_space<hbm>> -> memref<1x16x32xi32, #tpu.memory_space<hbm>>
      %dma_wait3A_320 = tpu.memref_squeeze %dma_wait3A_319 : memref<1x16x32xi32, #tpu.memory_space<hbm>> -> memref<16x32xi32, #tpu.memory_space<hbm>>
      %dma_wait3A_321 = arith.constant 0 : i32
      %dma_wait3A_322 = tpu.memref_slice %arg3[%select_n3A, %dma_wait3A_321, %multiple_of3A_317] : memref<8x16x4096xi32, #tpu.memory_space<hbm>> -> memref<1x16x32xi32, #tpu.memory_space<hbm>>
      %dma_wait3A_323 = tpu.memref_squeeze %dma_wait3A_322 : memref<1x16x32xi32, #tpu.memory_space<hbm>> -> memref<16x32xi32, #tpu.memory_space<hbm>>
      tpu.wait_dma2 semaphore(%arg14 : memref<!tpu.dma_semaphore, #tpu.memory_space<semaphore_mem>>) src(%dma_wait3A_323 : memref<16x32xi32, #tpu.memory_space<hbm>>) dst(%arg5 : memref<16x32xi32, #tpu.memory_space<vmem>>)
      %add3A_324 = arith.constant 2 : i32
      %add3A_325 = arith.addi %add3A_309, %add3A_324 : i32
      %min3A_326 = arith.constant 31 : i32
      %min3A_327 = arith.minsi %add3A_325, %min3A_326 : i32
      %mul3A_328 = arith.constant 32 : i32
      %mul3A_329 = arith.muli %min3A_327, %mul3A_328 : i32
      %add3A_330 = arith.addi %select_n3A_58, %mul3A_329 : i32
      %multiple_of3A_331 = tpu.assume_multiple %add3A_330, 32 : i32
      %dma_start3A_332 = arith.constant 0 : i32
      %dma_start3A_333 = tpu.memref_slice %arg3[%select_n3A, %dma_start3A_332, %multiple_of3A_331] : memref<8x16x4096xi32, #tpu.memory_space<hbm>> -> memref<1x16x32xi32, #tpu.memory_space<hbm>>
      %dma_start3A_334 = tpu.memref_squeeze %dma_start3A_333 : memref<1x16x32xi32, #tpu.memory_space<hbm>> -> memref<16x32xi32, #tpu.memory_space<hbm>>
      %dma_start3A_335 = arith.constant 0 : i32
      %dma_start3A_336 = tpu.memref_slice %arg3[%select_n3A, %dma_start3A_335, %multiple_of3A_331] : memref<8x16x4096xi32, #tpu.memory_space<hbm>> -> memref<1x16x32xi32, #tpu.memory_space<hbm>>
      %dma_start3A_337 = tpu.memref_squeeze %dma_start3A_336 : memref<1x16x32xi32, #tpu.memory_space<hbm>> -> memref<16x32xi32, #tpu.memory_space<hbm>>
      tpu.enqueue_dma source(%dma_start3A_337 : memref<16x32xi32, #tpu.memory_space<hbm>>) target(%arg6 : memref<16x32xi32, #tpu.memory_space<vmem>>) target_semaphore(%arg14 : memref<!tpu.dma_semaphore, #tpu.memory_space<semaphore_mem>>)
      %iota3A_338 = tpu.iota {dimensions = array<i32: 0>} : vector<16xi32>
      %scan3A_339 = arith.constant 0 : i32
      %scan3A_340 = arith.constant 0 : i32
      %scan3A_341 = arith.constant 32 : i32
      %scan3A_342 = arith.addi %scan3A_340, %scan3A_341 : i32
      %scan3A_343 = arith.constant 1 : i32
      scf.for %scan3A_428 = %scan3A_340 to %scan3A_342 step %scan3A_343  : i32 {
        %and3A_429 = arith.constant 7 : i32
        %and3A_430 = arith.andi %scan3A_428, %and3A_429 : i32
        %mul3A_431 = arith.constant 2 : i32
        %mul3A_432 = arith.muli %and3A_430, %mul3A_431 : i32
        %and3A_433 = arith.constant 1 : i32
        %and3A_434 = vector.broadcast %and3A_433 : i32 to vector<16xi32>
        %and3A_435 = arith.andi %iota3A_338, %and3A_434 : vector<16xi32>
        %add3A_436 = vector.broadcast %mul3A_432 : i32 to vector<16xi32>
        %add3A_437 = arith.addi %add3A_436, %and3A_435 : vector<16xi32>
        %shift_right_arithmetic3A = arith.constant 3 : i32
        %shift_right_arithmetic3A_438 = arith.shrsi %scan3A_428, %shift_right_arithmetic3A : i32
        %mul3A_439 = arith.constant 8 : i32
        %mul3A_440 = arith.muli %shift_right_arithmetic3A_438, %mul3A_439 : i32
        %shift_right_arithmetic3A_441 = arith.constant 1 : i32
        %shift_right_arithmetic3A_442 = vector.broadcast %shift_right_arithmetic3A_441 : i32 to vector<16xi32>
        %shift_right_arithmetic3A_443 = arith.shrsi %iota3A_338, %shift_right_arithmetic3A_442 : vector<16xi32>
        %add3A_444 = vector.broadcast %mul3A_440 : i32 to vector<16xi32>
        %add3A_445 = arith.addi %add3A_444, %shift_right_arithmetic3A_443 : vector<16xi32>
        %gather3A = tpu.vector_load_idx %arg5[%add3A_437, %add3A_445] : memref<16x32xi32, #tpu.memory_space<vmem>>[vector<16xi32>, vector<16xi32>], vector<16xi32>,
        %add3A_446 = vector.broadcast %mul3A_20 : i32 to vector<16xi32>
        %add3A_447 = arith.addi %gather3A, %add3A_446 : vector<16xi32>
        %mul3A_448 = arith.constant 16 : i32
        %mul3A_449 = arith.muli %scan3A_428, %mul3A_448 : i32
        %swap3A = arith.index_cast %mul3A_449 : i32 to index
        %swap3A_450 = tpu.vector_load %arg7[%swap3A] {strides = array<i32>} : memref<512xi32, #tpu.memory_space<vmem>>, vector<16xi32>,
        tpu.vector_store %arg7[%swap3A], %add3A_447 {strides = array<i32>} : memref<512xi32, #tpu.memory_space<vmem>>, vector<16xi32>,
      }
      %scan3A_344 = arith.constant 32 : i32
      %gt3A_345 = arith.constant 0 : i32
      %gt3A_346 = arith.cmpi sgt, %add3A_309, %gt3A_345 : i32
      %convert_element_type3A_347 = arith.extui %gt3A_346 : i1 to i32
      %cond3A_348 = arith.constant 0 : i32
      %cond3A_349 = arith.cmpi ne, %convert_element_type3A_347, %cond3A_348 : i32
      scf.if %cond3A_349 {
        %sub3A_428 = arith.constant 1 : i32
        %sub3A_429 = arith.subi %add3A_309, %sub3A_428 : i32
        %mul3A_430 = arith.constant 512 : i32
        %mul3A_431 = arith.muli %sub3A_429, %mul3A_430 : i32
        %add3A_432 = arith.addi %mul3A_2, %mul3A_431 : i32
        %dma_wait3A_433 = arith.constant 0 : i32
        %dma_wait3A_434 = tpu.memref_slice %arg4[%add3A_432, %dma_wait3A_433] : memref<524288x64xf32, #tpu.memory_space<hbm>> -> memref<512x64xf32, #tpu.memory_space<hbm>>
        %dma_wait3A_435 = arith.constant 0 : i32
        %dma_wait3A_436 = tpu.memref_slice %arg4[%add3A_432, %dma_wait3A_435] : memref<524288x64xf32, #tpu.memory_space<hbm>> -> memref<512x64xf32, #tpu.memory_space<hbm>>
        tpu.wait_dma2 semaphore(%arg13 : memref<!tpu.dma_semaphore, #tpu.memory_space<semaphore_mem>>) src(%arg9 : memref<512x64xf32, #tpu.memory_space<vmem>>) dst(%dma_wait3A_436 : memref<512x64xf32, #tpu.memory_space<hbm>>)
      } else {
      }
      %add3A_350 = arith.constant 1 : i32
      %add3A_351 = arith.addi %add3A_309, %add3A_350 : i32
      %lt3A_352 = arith.constant 32 : i32
      %lt3A_353 = arith.cmpi slt, %add3A_351, %lt3A_352 : i32
      %convert_element_type3A_354 = arith.extui %lt3A_353 : i1 to i32
      %cond3A_355 = arith.constant 0 : i32
      %cond3A_356 = arith.cmpi ne, %convert_element_type3A_354, %cond3A_355 : i32
      scf.if %cond3A_356 {
        %dma_start3A_428 = arith.constant 0 : i32
        %dma_start3A_429 = arith.constant 0 : i32
        %dma_start3A_430 = tpu.memref_slice %arg9[%dma_start3A_428, %dma_start3A_429] : memref<512x64xf32, #tpu.memory_space<vmem>> -> memref<64x64xf32, #tpu.memory_space<vmem>>
        %dma_start3A_431 = arith.constant 0 : i32
        %dma_start3A_432 = tpu.memref_slice %arg7[%dma_start3A_431] : memref<512xi32, #tpu.memory_space<vmem>> -> memref<64xi32, #tpu.memory_space<vmem>>
        %dma_start3A_433 = arith.constant 0 : i32
        %dma_start3A_434 = arith.constant 0 : i32
        %dma_start3A_435 = tpu.memref_slice %arg2[%dma_start3A_433, %dma_start3A_434] : memref<32768x64xf32, #tpu.memory_space<hbm>> -> memref<32768x64xf32, #tpu.memory_space<hbm>>
        tpu.enqueue_indirect_dma source(%dma_start3A_435 : memref<32768x64xf32, #tpu.memory_space<hbm>>) target(%dma_start3A_430 : memref<64x64xf32, #tpu.memory_space<vmem>>) offsets(%dma_start3A_432 : memref<64xi32, #tpu.memory_space<vmem>>) semaphore(%arg11 : memref<!tpu.dma_semaphore, #tpu.memory_space<semaphore_mem>>)
        %dma_start3A_436 = arith.constant 64 : i32
        %dma_start3A_437 = arith.constant 0 : i32
        %dma_start3A_438 = tpu.memref_slice %arg9[%dma_start3A_436, %dma_start3A_437] : memref<512x64xf32, #tpu.memory_space<vmem>> -> memref<64x64xf32, #tpu.memory_space<vmem>>
        %dma_start3A_439 = arith.constant 64 : i32
        %dma_start3A_440 = tpu.memref_slice %arg7[%dma_start3A_439] : memref<512xi32, #tpu.memory_space<vmem>> -> memref<64xi32, #tpu.memory_space<vmem>>
        %dma_start3A_441 = arith.constant 0 : i32
        %dma_start3A_442 = arith.constant 0 : i32
        %dma_start3A_443 = tpu.memref_slice %arg2[%dma_start3A_441, %dma_start3A_442] : memref<32768x64xf32, #tpu.memory_space<hbm>> -> memref<32768x64xf32, #tpu.memory_space<hbm>>
        tpu.enqueue_indirect_dma source(%dma_start3A_443 : memref<32768x64xf32, #tpu.memory_space<hbm>>) target(%dma_start3A_438 : memref<64x64xf32, #tpu.memory_space<vmem>>) offsets(%dma_start3A_440 : memref<64xi32, #tpu.memory_space<vmem>>) semaphore(%arg11 : memref<!tpu.dma_semaphore, #tpu.memory_space<semaphore_mem>>)
        %dma_start3A_444 = arith.constant 128 : i32
        %dma_start3A_445 = arith.constant 0 : i32
        %dma_start3A_446 = tpu.memref_slice %arg9[%dma_start3A_444, %dma_start3A_445] : memref<512x64xf32, #tpu.memory_space<vmem>> -> memref<64x64xf32, #tpu.memory_space<vmem>>
        %dma_start3A_447 = arith.constant 128 : i32
        %dma_start3A_448 = tpu.memref_slice %arg7[%dma_start3A_447] : memref<512xi32, #tpu.memory_space<vmem>> -> memref<64xi32, #tpu.memory_space<vmem>>
        %dma_start3A_449 = arith.constant 0 : i32
        %dma_start3A_450 = arith.constant 0 : i32
        %dma_start3A_451 = tpu.memref_slice %arg2[%dma_start3A_449, %dma_start3A_450] : memref<32768x64xf32, #tpu.memory_space<hbm>> -> memref<32768x64xf32, #tpu.memory_space<hbm>>
        tpu.enqueue_indirect_dma source(%dma_start3A_451 : memref<32768x64xf32, #tpu.memory_space<hbm>>) target(%dma_start3A_446 : memref<64x64xf32, #tpu.memory_space<vmem>>) offsets(%dma_start3A_448 : memref<64xi32, #tpu.memory_space<vmem>>) semaphore(%arg11 : memref<!tpu.dma_semaphore, #tpu.memory_space<semaphore_mem>>)
        %dma_start3A_452 = arith.constant 192 : i32
        %dma_start3A_453 = arith.constant 0 : i32
        %dma_start3A_454 = tpu.memref_slice %arg9[%dma_start3A_452, %dma_start3A_453] : memref<512x64xf32, #tpu.memory_space<vmem>> -> memref<64x64xf32, #tpu.memory_space<vmem>>
        %dma_start3A_455 = arith.constant 192 : i32
        %dma_start3A_456 = tpu.memref_slice %arg7[%dma_start3A_455] : memref<512xi32, #tpu.memory_space<vmem>> -> memref<64xi32, #tpu.memory_space<vmem>>
        %dma_start3A_457 = arith.constant 0 : i32
        %dma_start3A_458 = arith.constant 0 : i32
        %dma_start3A_459 = tpu.memref_slice %arg2[%dma_start3A_457, %dma_start3A_458] : memref<32768x64xf32, #tpu.memory_space<hbm>> -> memref<32768x64xf32, #tpu.memory_space<hbm>>
        tpu.enqueue_indirect_dma source(%dma_start3A_459 : memref<32768x64xf32, #tpu.memory_space<hbm>>) target(%dma_start3A_454 : memref<64x64xf32, #tpu.memory_space<vmem>>) offsets(%dma_start3A_456 : memref<64xi32, #tpu.memory_space<vmem>>) semaphore(%arg11 : memref<!tpu.dma_semaphore, #tpu.memory_space<semaphore_mem>>)
        %dma_start3A_460 = arith.constant 256 : i32
        %dma_start3A_461 = arith.constant 0 : i32
        %dma_start3A_462 = tpu.memref_slice %arg9[%dma_start3A_460, %dma_start3A_461] : memref<512x64xf32, #tpu.memory_space<vmem>> -> memref<64x64xf32, #tpu.memory_space<vmem>>
        %dma_start3A_463 = arith.constant 256 : i32
        %dma_start3A_464 = tpu.memref_slice %arg7[%dma_start3A_463] : memref<512xi32, #tpu.memory_space<vmem>> -> memref<64xi32, #tpu.memory_space<vmem>>
        %dma_start3A_465 = arith.constant 0 : i32
        %dma_start3A_466 = arith.constant 0 : i32
        %dma_start3A_467 = tpu.memref_slice %arg2[%dma_start3A_465, %dma_start3A_466] : memref<32768x64xf32, #tpu.memory_space<hbm>> -> memref<32768x64xf32, #tpu.memory_space<hbm>>
        tpu.enqueue_indirect_dma source(%dma_start3A_467 : memref<32768x64xf32, #tpu.memory_space<hbm>>) target(%dma_start3A_462 : memref<64x64xf32, #tpu.memory_space<vmem>>) offsets(%dma_start3A_464 : memref<64xi32, #tpu.memory_space<vmem>>) semaphore(%arg11 : memref<!tpu.dma_semaphore, #tpu.memory_space<semaphore_mem>>)
        %dma_start3A_468 = arith.constant 320 : i32
        %dma_start3A_469 = arith.constant 0 : i32
        %dma_start3A_470 = tpu.memref_slice %arg9[%dma_start3A_468, %dma_start3A_469] : memref<512x64xf32, #tpu.memory_space<vmem>> -> memref<64x64xf32, #tpu.memory_space<vmem>>
        %dma_start3A_471 = arith.constant 320 : i32
        %dma_start3A_472 = tpu.memref_slice %arg7[%dma_start3A_471] : memref<512xi32, #tpu.memory_space<vmem>> -> memref<64xi32, #tpu.memory_space<vmem>>
        %dma_start3A_473 = arith.constant 0 : i32
        %dma_start3A_474 = arith.constant 0 : i32
        %dma_start3A_475 = tpu.memref_slice %arg2[%dma_start3A_473, %dma_start3A_474] : memref<32768x64xf32, #tpu.memory_space<hbm>> -> memref<32768x64xf32, #tpu.memory_space<hbm>>
        tpu.enqueue_indirect_dma source(%dma_start3A_475 : memref<32768x64xf32, #tpu.memory_space<hbm>>) target(%dma_start3A_470 : memref<64x64xf32, #tpu.memory_space<vmem>>) offsets(%dma_start3A_472 : memref<64xi32, #tpu.memory_space<vmem>>) semaphore(%arg11 : memref<!tpu.dma_semaphore, #tpu.memory_space<semaphore_mem>>)
        %dma_start3A_476 = arith.constant 384 : i32
        %dma_start3A_477 = arith.constant 0 : i32
        %dma_start3A_478 = tpu.memref_slice %arg9[%dma_start3A_476, %dma_start3A_477] : memref<512x64xf32, #tpu.memory_space<vmem>> -> memref<64x64xf32, #tpu.memory_space<vmem>>
        %dma_start3A_479 = arith.constant 384 : i32
        %dma_start3A_480 = tpu.memref_slice %arg7[%dma_start3A_479] : memref<512xi32, #tpu.memory_space<vmem>> -> memref<64xi32, #tpu.memory_space<vmem>>
        %dma_start3A_481 = arith.constant 0 : i32
        %dma_start3A_482 = arith.constant 0 : i32
        %dma_start3A_483 = tpu.memref_slice %arg2[%dma_start3A_481, %dma_start3A_482] : memref<32768x64xf32, #tpu.memory_space<hbm>> -> memref<32768x64xf32, #tpu.memory_space<hbm>>
        tpu.enqueue_indirect_dma source(%dma_start3A_483 : memref<32768x64xf32, #tpu.memory_space<hbm>>) target(%dma_start3A_478 : memref<64x64xf32, #tpu.memory_space<vmem>>) offsets(%dma_start3A_480 : memref<64xi32, #tpu.memory_space<vmem>>) semaphore(%arg11 : memref<!tpu.dma_semaphore, #tpu.memory_space<semaphore_mem>>)
        %dma_start3A_484 = arith.constant 448 : i32
        %dma_start3A_485 = arith.constant 0 : i32
        %dma_start3A_486 = tpu.memref_slice %arg9[%dma_start3A_484, %dma_start3A_485] : memref<512x64xf32, #tpu.memory_space<vmem>> -> memref<64x64xf32, #tpu.memory_space<vmem>>
        %dma_start3A_487 = arith.constant 448 : i32
        %dma_start3A_488 = tpu.memref_slice %arg7[%dma_start3A_487] : memref<512xi32, #tpu.memory_space<vmem>> -> memref<64xi32, #tpu.memory_space<vmem>>
        %dma_start3A_489 = arith.constant 0 : i32
        %dma_start3A_490 = arith.constant 0 : i32
        %dma_start3A_491 = tpu.memref_slice %arg2[%dma_start3A_489, %dma_start3A_490] : memref<32768x64xf32, #tpu.memory_space<hbm>> -> memref<32768x64xf32, #tpu.memory_space<hbm>>
        tpu.enqueue_indirect_dma source(%dma_start3A_491 : memref<32768x64xf32, #tpu.memory_space<hbm>>) target(%dma_start3A_486 : memref<64x64xf32, #tpu.memory_space<vmem>>) offsets(%dma_start3A_488 : memref<64xi32, #tpu.memory_space<vmem>>) semaphore(%arg11 : memref<!tpu.dma_semaphore, #tpu.memory_space<semaphore_mem>>)
      } else {
      }
      %dma_wait3A_357 = arith.constant 0 : i32
      %dma_wait3A_358 = arith.constant 0 : i32
      %dma_wait3A_359 = tpu.memref_slice %arg10[%dma_wait3A_357, %dma_wait3A_358] : memref<512x64xf32, #tpu.memory_space<vmem>> -> memref<64x64xf32, #tpu.memory_space<vmem>>
      %dma_wait3A_360 = arith.constant 0 : i32
      %dma_wait3A_361 = tpu.memref_slice %arg8[%dma_wait3A_360] : memref<512xi32, #tpu.memory_space<vmem>> -> memref<64xi32, #tpu.memory_space<vmem>>
      %dma_wait3A_362 = arith.constant 0 : i32
      %dma_wait3A_363 = arith.constant 0 : i32
      %dma_wait3A_364 = tpu.memref_slice %arg2[%dma_wait3A_362, %dma_wait3A_363] : memref<32768x64xf32, #tpu.memory_space<hbm>> -> memref<32768x64xf32, #tpu.memory_space<hbm>>
      tpu.wait_indirect_dma semaphore(%arg12 : memref<!tpu.dma_semaphore, #tpu.memory_space<semaphore_mem>>) src(%dma_wait3A_364 : memref<32768x64xf32, #tpu.memory_space<hbm>>) dst(%dma_wait3A_359 : memref<64x64xf32, #tpu.memory_space<vmem>>)
      %dma_wait3A_365 = arith.constant 64 : i32
      %dma_wait3A_366 = arith.constant 0 : i32
      %dma_wait3A_367 = tpu.memref_slice %arg10[%dma_wait3A_365, %dma_wait3A_366] : memref<512x64xf32, #tpu.memory_space<vmem>> -> memref<64x64xf32, #tpu.memory_space<vmem>>
      %dma_wait3A_368 = arith.constant 64 : i32
      %dma_wait3A_369 = tpu.memref_slice %arg8[%dma_wait3A_368] : memref<512xi32, #tpu.memory_space<vmem>> -> memref<64xi32, #tpu.memory_space<vmem>>
      %dma_wait3A_370 = arith.constant 0 : i32
      %dma_wait3A_371 = arith.constant 0 : i32
      %dma_wait3A_372 = tpu.memref_slice %arg2[%dma_wait3A_370, %dma_wait3A_371] : memref<32768x64xf32, #tpu.memory_space<hbm>> -> memref<32768x64xf32, #tpu.memory_space<hbm>>
      tpu.wait_indirect_dma semaphore(%arg12 : memref<!tpu.dma_semaphore, #tpu.memory_space<semaphore_mem>>) src(%dma_wait3A_372 : memref<32768x64xf32, #tpu.memory_space<hbm>>) dst(%dma_wait3A_367 : memref<64x64xf32, #tpu.memory_space<vmem>>)
      %dma_wait3A_373 = arith.constant 128 : i32
      %dma_wait3A_374 = arith.constant 0 : i32
      %dma_wait3A_375 = tpu.memref_slice %arg10[%dma_wait3A_373, %dma_wait3A_374] : memref<512x64xf32, #tpu.memory_space<vmem>> -> memref<64x64xf32, #tpu.memory_space<vmem>>
      %dma_wait3A_376 = arith.constant 128 : i32
      %dma_wait3A_377 = tpu.memref_slice %arg8[%dma_wait3A_376] : memref<512xi32, #tpu.memory_space<vmem>> -> memref<64xi32, #tpu.memory_space<vmem>>
      %dma_wait3A_378 = arith.constant 0 : i32
      %dma_wait3A_379 = arith.constant 0 : i32
      %dma_wait3A_380 = tpu.memref_slice %arg2[%dma_wait3A_378, %dma_wait3A_379] : memref<32768x64xf32, #tpu.memory_space<hbm>> -> memref<32768x64xf32, #tpu.memory_space<hbm>>
      tpu.wait_indirect_dma semaphore(%arg12 : memref<!tpu.dma_semaphore, #tpu.memory_space<semaphore_mem>>) src(%dma_wait3A_380 : memref<32768x64xf32, #tpu.memory_space<hbm>>) dst(%dma_wait3A_375 : memref<64x64xf32, #tpu.memory_space<vmem>>)
      %dma_wait3A_381 = arith.constant 192 : i32
      %dma_wait3A_382 = arith.constant 0 : i32
      %dma_wait3A_383 = tpu.memref_slice %arg10[%dma_wait3A_381, %dma_wait3A_382] : memref<512x64xf32, #tpu.memory_space<vmem>> -> memref<64x64xf32, #tpu.memory_space<vmem>>
      %dma_wait3A_384 = arith.constant 192 : i32
      %dma_wait3A_385 = tpu.memref_slice %arg8[%dma_wait3A_384] : memref<512xi32, #tpu.memory_space<vmem>> -> memref<64xi32, #tpu.memory_space<vmem>>
      %dma_wait3A_386 = arith.constant 0 : i32
      %dma_wait3A_387 = arith.constant 0 : i32
      %dma_wait3A_388 = tpu.memref_slice %arg2[%dma_wait3A_386, %dma_wait3A_387] : memref<32768x64xf32, #tpu.memory_space<hbm>> -> memref<32768x64xf32, #tpu.memory_space<hbm>>
      tpu.wait_indirect_dma semaphore(%arg12 : memref<!tpu.dma_semaphore, #tpu.memory_space<semaphore_mem>>) src(%dma_wait3A_388 : memref<32768x64xf32, #tpu.memory_space<hbm>>) dst(%dma_wait3A_383 : memref<64x64xf32, #tpu.memory_space<vmem>>)
      %dma_wait3A_389 = arith.constant 256 : i32
      %dma_wait3A_390 = arith.constant 0 : i32
      %dma_wait3A_391 = tpu.memref_slice %arg10[%dma_wait3A_389, %dma_wait3A_390] : memref<512x64xf32, #tpu.memory_space<vmem>> -> memref<64x64xf32, #tpu.memory_space<vmem>>
      %dma_wait3A_392 = arith.constant 256 : i32
      %dma_wait3A_393 = tpu.memref_slice %arg8[%dma_wait3A_392] : memref<512xi32, #tpu.memory_space<vmem>> -> memref<64xi32, #tpu.memory_space<vmem>>
      %dma_wait3A_394 = arith.constant 0 : i32
      %dma_wait3A_395 = arith.constant 0 : i32
      %dma_wait3A_396 = tpu.memref_slice %arg2[%dma_wait3A_394, %dma_wait3A_395] : memref<32768x64xf32, #tpu.memory_space<hbm>> -> memref<32768x64xf32, #tpu.memory_space<hbm>>
      tpu.wait_indirect_dma semaphore(%arg12 : memref<!tpu.dma_semaphore, #tpu.memory_space<semaphore_mem>>) src(%dma_wait3A_396 : memref<32768x64xf32, #tpu.memory_space<hbm>>) dst(%dma_wait3A_391 : memref<64x64xf32, #tpu.memory_space<vmem>>)
      %dma_wait3A_397 = arith.constant 320 : i32
      %dma_wait3A_398 = arith.constant 0 : i32
      %dma_wait3A_399 = tpu.memref_slice %arg10[%dma_wait3A_397, %dma_wait3A_398] : memref<512x64xf32, #tpu.memory_space<vmem>> -> memref<64x64xf32, #tpu.memory_space<vmem>>
      %dma_wait3A_400 = arith.constant 320 : i32
      %dma_wait3A_401 = tpu.memref_slice %arg8[%dma_wait3A_400] : memref<512xi32, #tpu.memory_space<vmem>> -> memref<64xi32, #tpu.memory_space<vmem>>
      %dma_wait3A_402 = arith.constant 0 : i32
      %dma_wait3A_403 = arith.constant 0 : i32
      %dma_wait3A_404 = tpu.memref_slice %arg2[%dma_wait3A_402, %dma_wait3A_403] : memref<32768x64xf32, #tpu.memory_space<hbm>> -> memref<32768x64xf32, #tpu.memory_space<hbm>>
      tpu.wait_indirect_dma semaphore(%arg12 : memref<!tpu.dma_semaphore, #tpu.memory_space<semaphore_mem>>) src(%dma_wait3A_404 : memref<32768x64xf32, #tpu.memory_space<hbm>>) dst(%dma_wait3A_399 : memref<64x64xf32, #tpu.memory_space<vmem>>)
      %dma_wait3A_405 = arith.constant 384 : i32
      %dma_wait3A_406 = arith.constant 0 : i32
      %dma_wait3A_407 = tpu.memref_slice %arg10[%dma_wait3A_405, %dma_wait3A_406] : memref<512x64xf32, #tpu.memory_space<vmem>> -> memref<64x64xf32, #tpu.memory_space<vmem>>
      %dma_wait3A_408 = arith.constant 384 : i32
      %dma_wait3A_409 = tpu.memref_slice %arg8[%dma_wait3A_408] : memref<512xi32, #tpu.memory_space<vmem>> -> memref<64xi32, #tpu.memory_space<vmem>>
      %dma_wait3A_410 = arith.constant 0 : i32
      %dma_wait3A_411 = arith.constant 0 : i32
      %dma_wait3A_412 = tpu.memref_slice %arg2[%dma_wait3A_410, %dma_wait3A_411] : memref<32768x64xf32, #tpu.memory_space<hbm>> -> memref<32768x64xf32, #tpu.memory_space<hbm>>
      tpu.wait_indirect_dma semaphore(%arg12 : memref<!tpu.dma_semaphore, #tpu.memory_space<semaphore_mem>>) src(%dma_wait3A_412 : memref<32768x64xf32, #tpu.memory_space<hbm>>) dst(%dma_wait3A_407 : memref<64x64xf32, #tpu.memory_space<vmem>>)
      %dma_wait3A_413 = arith.constant 448 : i32
      %dma_wait3A_414 = arith.constant 0 : i32
      %dma_wait3A_415 = tpu.memref_slice %arg10[%dma_wait3A_413, %dma_wait3A_414] : memref<512x64xf32, #tpu.memory_space<vmem>> -> memref<64x64xf32, #tpu.memory_space<vmem>>
      %dma_wait3A_416 = arith.constant 448 : i32
      %dma_wait3A_417 = tpu.memref_slice %arg8[%dma_wait3A_416] : memref<512xi32, #tpu.memory_space<vmem>> -> memref<64xi32, #tpu.memory_space<vmem>>
      %dma_wait3A_418 = arith.constant 0 : i32
      %dma_wait3A_419 = arith.constant 0 : i32
      %dma_wait3A_420 = tpu.memref_slice %arg2[%dma_wait3A_418, %dma_wait3A_419] : memref<32768x64xf32, #tpu.memory_space<hbm>> -> memref<32768x64xf32, #tpu.memory_space<hbm>>
      tpu.wait_indirect_dma semaphore(%arg12 : memref<!tpu.dma_semaphore, #tpu.memory_space<semaphore_mem>>) src(%dma_wait3A_420 : memref<32768x64xf32, #tpu.memory_space<hbm>>) dst(%dma_wait3A_415 : memref<64x64xf32, #tpu.memory_space<vmem>>)
      %mul3A_421 = arith.constant 512 : i32
      %mul3A_422 = arith.muli %add3A_309, %mul3A_421 : i32
      %add3A_423 = arith.addi %mul3A_2, %mul3A_422 : i32
      %dma_start3A_424 = arith.constant 0 : i32
      %dma_start3A_425 = tpu.memref_slice %arg4[%add3A_423, %dma_start3A_424] : memref<524288x64xf32, #tpu.memory_space<hbm>> -> memref<512x64xf32, #tpu.memory_space<hbm>>
      %dma_start3A_426 = arith.constant 0 : i32
      %dma_start3A_427 = tpu.memref_slice %arg4[%add3A_423, %dma_start3A_426] : memref<524288x64xf32, #tpu.memory_space<hbm>> -> memref<512x64xf32, #tpu.memory_space<hbm>>
      tpu.enqueue_dma source(%arg10 : memref<512x64xf32, #tpu.memory_space<vmem>>) target(%dma_start3A_427 : memref<512x64xf32, #tpu.memory_space<hbm>>) target_semaphore(%arg13 : memref<!tpu.dma_semaphore, #tpu.memory_space<semaphore_mem>>)
    }
    %scan3A_168 = arith.constant 16 : i32
    %add3A_169 = arith.constant 15872 : i32
    %add3A_170 = arith.addi %mul3A_2, %add3A_169 : i32
    %dma_wait3A_171 = arith.constant 0 : i32
    %dma_wait3A_172 = tpu.memref_slice %arg4[%add3A_170, %dma_wait3A_171] : memref<524288x64xf32, #tpu.memory_space<hbm>> -> memref<512x64xf32, #tpu.memory_space<hbm>>
    %dma_wait3A_173 = arith.constant 0 : i32
    %dma_wait3A_174 = tpu.memref_slice %arg4[%add3A_170, %dma_wait3A_173] : memref<524288x64xf32, #tpu.memory_space<hbm>> -> memref<512x64xf32, #tpu.memory_space<hbm>>
    tpu.wait_dma2 semaphore(%arg13 : memref<!tpu.dma_semaphore, #tpu.memory_space<semaphore_mem>>) src(%arg10 : memref<512x64xf32, #tpu.memory_space<vmem>>) dst(%dma_wait3A_174 : memref<512x64xf32, #tpu.memory_space<hbm>>)
    %min3A_175 = arith.constant 33 : i32
    %min3A_176 = arith.constant 31 : i32
    %min3A_177 = arith.minsi %min3A_175, %min3A_176 : i32
    %mul3A_178 = arith.constant 32 : i32
    %mul3A_179 = arith.muli %min3A_177, %mul3A_178 : i32
    %add3A_180 = arith.addi %select_n3A_58, %mul3A_179 : i32
    %multiple_of3A_181 = tpu.assume_multiple %add3A_180, 32 : i32
    %dma_wait3A_182 = arith.constant 0 : i32
    %dma_wait3A_183 = tpu.memref_slice %arg3[%select_n3A, %dma_wait3A_182, %multiple_of3A_181] : memref<8x16x4096xi32, #tpu.memory_space<hbm>> -> memref<1x16x32xi32, #tpu.memory_space<hbm>>
    %dma_wait3A_184 = tpu.memref_squeeze %dma_wait3A_183 : memref<1x16x32xi32, #tpu.memory_space<hbm>> -> memref<16x32xi32, #tpu.memory_space<hbm>>
    %dma_wait3A_185 = arith.constant 0 : i32
    %dma_wait3A_186 = tpu.memref_slice %arg3[%select_n3A, %dma_wait3A_185, %multiple_of3A_181] : memref<8x16x4096xi32, #tpu.memory_space<hbm>> -> memref<1x16x32xi32, #tpu.memory_space<hbm>>
    %dma_wait3A_187 = tpu.memref_squeeze %dma_wait3A_186 : memref<1x16x32xi32, #tpu.memory_space<hbm>> -> memref<16x32xi32, #tpu.memory_space<hbm>>
    tpu.wait_dma2 semaphore(%arg14 : memref<!tpu.dma_semaphore, #tpu.memory_space<semaphore_mem>>) src(%dma_wait3A_187 : memref<16x32xi32, #tpu.memory_space<hbm>>) dst(%arg6 : memref<16x32xi32, #tpu.memory_space<vmem>>)
    return
  }
}

</mosaic_0001>

<sc_bundles>
// kernel: kernel.3.cloned.1.call-start
scs
__scs_entry_jumppad:
0x0: {  	(pc) =	sbr.rel $0x88, $3  }
0x1: {  	(tag) =	ssettag $0x0;
	lr =	simm.s32 $0x1  }
0x2: {  	[smem:$0x3F9F] =	sst lr;
	_ =	strace $0xD0000000  }
0x3: {  	_ = 	snop  }
0x4: {  	_ = 	snop  }
0x5: {  	_ = 	snop  }
0x6: {  	_ = 	snop  }
0x7: {  	_ = 	snop  }
__scs_overlays_trampoline_lowered:
0x8: {  	[smem:$0x3FAE] =	sst s0  }
0x9: {  	[smem:$0x3FAF] =	sst s1  }
0xa: {  	[smem:$0x3FB0] =	sst s2  }
0xb: {  	[smem:$0x3FB1] =	sst s3  }
0xc: {  	[smem:$0x3FB2] =	sst s4  }
0xd: {  	[smem:$0x3FB3] =	sst s5  }
0xe: {  	[smem:$0x3FB4] =	sst s6  }
0xf: {  	[smem:$0x3FB5] =	sst s7  }
0x10: {  	[smem:$0x3FB6] =	sst s8  }
0x11: {  	[smem:$0x3FB7] =	sst s9;
	s0 =	simm.s32 @!p0 $0x0  }
0x12: {  	s1 =	sld [smem:$0x3F9D];
	s0 =	simm.s32 @p0 $0x1  }
0x13: {  	[smem:$0x3FB8] =	sst s0;
	s0 =	simm.s32 @!p1 $0x0  }
0x14: {  	s2 =	sld [smem:$0x3F9C];
	s0 =	simm.s32 @p1 $0x1  }
0x15: {  	[smem:$0x3FB9] =	sst s0;
	s0 =	simm.s32 @!p2 $0x0  }
0x16: {  	s3 =	sld [smem:$0x3FDB];
	s0 =	simm.s32 @p2 $0x1  }
0x17: {  	s4 =	simm.s32 $0x1BF5;
	[smem:$0x3FBB] =	sst s0  }
0x18: {  	s0 =	sld [smem:$0x3F9E];
	_ =	swait.ge [sflag:s4], $0x0  }
0x19: {  	s7 =	sld [smem:$0x3F9F]  }
0x1a: {  	s8 =	sadd.s32 $0xFFFFE003, lr  }
0x1b: {  	s9 =	sadd.s32 $0xFFFFFEF7, lr;
	s5 =	simm.s32 $0xFFFFFFFF;
	p2 =	slt.u32 s8, $0xFFFFF086  }
0x1c: {  	p1 =	slt.u32 s9, $0xF7A;
	s5 =	simm.s32 @!p2 $0x0  }
0x1d: {  	s5 =	simm.s32 @p1 $0x1;
	p0 =	seq.s32 s7, s2  }
0x1e: {  	s7 =	smul.u32 @!p0 $0xF7A, s2;
	p2 =	seq.s32 @!p0 s5, $0x0  }
0x1f: {  	s9 =	smul.u32 $0xF7A, s1;
	s8 =	simm.s32 @!p0 $0x1BF5;
	p2 =	por !p2, p0  }
0x20: {  	[sflag:s8] =	ssyncset.s32 @!p0 $0xFFFFF086;
	s6 =	sadd.s32 @!p0 s3, s7;
	s7 =	simm.s32 @!p0 $0x108  }
0x21: {  	s3 =	sadd.s32 s3, s9;
	s6 =	sadd.s32 @!p0 $0x88, s6;
	s7 =	simm.s32 @p2 $0x1082  }
0x22: {  	[simem:s7], [sflag:s8] =	dma.local @!p0 [hbm:s6], $0xF7A  }
0x23: {  	s9 =	sor.u32 $0xD0000000, s2;
	s6 =	simm.s32 $0x108;
	_ =	swait.ge @!p0 [sflag:s8], $0x0  }
0x24: {  	s3 =	sadd.s32 $0x88, s3;
	s6 =	simm.s32 @!p1 $0x1082;
	[sflag:s4] =	ssyncset.s32 $0xFFFFF086  }
0x25: {  	[simem:s6], [sflag:s4] =	dma.local [hbm:s3], $0xF7A  }
0x26: {  	[smem:$0x3F9F] =	sst s1;
	(tag) =	ssettag s2;
	_ =	strace s9  }
0x27: {  	s1 =	sld [smem:$0x3FAF]  }
0x28: {  	s2 =	sld [smem:$0x3FB0]  }
0x29: {  	s4 =	sld [smem:$0x3FB2]  }
0x2a: {  	p0 =	seq.s32 s5, $0x0;
	s5 =	sld [smem:$0x3FB3]  }
0x2b: {  	s6 =	sld [smem:$0x3FB4]  }
0x2c: {  	s7 =	sld [smem:$0x3FB5]  }
0x2d: {  	s3 =	simm.s32 $0x108;
	s8 =	sld [smem:$0x3FB6]  }
0x2e: {  	s3 =	simm.s32 @!p0 $0x1082;
	s9 =	sld [smem:$0x3FB7]  }
0x2f: {  	lr =	sadd.s32 s0, s3;
	s0 =	sld [smem:$0x3FAE]  }
0x30: {  	s3 =	sld [smem:$0x3FB1]  }
0x31: {  	[smem:$0x3FBA] =	sst s10  }
0x32: {  	s10 =	sld [smem:$0x3FB8];
	_ =	sdelay $0x3  }
0x33: {  	p0 =	seq.s32 s10, $0x1;
	s10 =	sld [smem:$0x3FBA];
	_ =	sdelay $0x3  }
0x34: {  	[smem:$0x3FBA] =	sst s10  }
0x35: {  	s10 =	sld [smem:$0x3FB9];
	_ =	sdelay $0x3  }
0x36: {  	p1 =	seq.s32 s10, $0x1;
	s10 =	sld [smem:$0x3FBA];
	_ =	sdelay $0x3  }
0x37: {  	[smem:$0x3FBA] =	sst s10  }
0x38: {  	s10 =	sld [smem:$0x3FBB]  }
0x39: {  	_ = 	snop;
	(pc) =	sbr.ind lr, $3  }
0x3a: {  	_ = 	snop  }
0x3b: {  	_ = 	snop  }
0x3c: {  	p2 =	seq.s32 s10, $0x1;
	s10 =	sld [smem:$0x3FBA]  }
0x3d: {  	_ =	shalt  }
0x3e: {  	_ =	shalt  }
0x3f: {  	_ =	shalt  }
0x40: {  	_ =	shalt  }
0x41: {  	_ =	shalt  }
0x42: {  	_ =	shalt  }
0x43: {  	_ =	shalt  }
0x44: {  	_ =	shalt  }
0x45: {  	_ =	shalt  }
0x46: {  	_ =	shalt  }
0x47: {  	_ =	shalt  }
0x48: {  	_ =	shalt  }
0x49: {  	_ =	shalt  }
0x4a: {  	_ =	shalt  }
0x4b: {  	_ =	shalt  }
0x4c: {  	_ =	shalt  }
0x4d: {  	_ =	shalt  }
0x4e: {  	_ =	shalt  }
0x4f: {  	_ =	shalt  }
0x50: {  	_ =	shalt  }
0x51: {  	_ =	shalt  }
0x52: {  	_ =	shalt  }
0x53: {  	_ =	shalt  }
0x54: {  	_ =	shalt  }
0x55: {  	_ =	shalt  }
0x56: {  	_ =	shalt  }
0x57: {  	_ =	shalt  }
0x58: {  	_ =	shalt  }
0x59: {  	_ =	shalt  }
0x5a: {  	_ =	shalt  }
0x5b: {  	_ =	shalt  }
0x5c: {  	_ =	shalt  }
0x5d: {  	_ =	shalt  }
0x5e: {  	_ =	shalt  }
0x5f: {  	_ =	shalt  }
0x60: {  	_ =	shalt  }
0x61: {  	_ =	shalt  }
0x62: {  	_ =	shalt  }
0x63: {  	_ =	shalt  }
0x64: {  	_ =	shalt  }
0x65: {  	_ =	shalt  }
0x66: {  	_ =	shalt  }
0x67: {  	_ =	shalt  }
0x68: {  	_ =	shalt  }
0x69: {  	_ =	shalt  }
0x6a: {  	_ =	shalt  }
0x6b: {  	_ =	shalt  }
0x6c: {  	_ =	shalt  }
0x6d: {  	_ =	shalt  }
0x6e: {  	_ =	shalt  }
0x6f: {  	_ =	shalt  }
0x70: {  	_ =	shalt  }
0x71: {  	_ =	shalt  }
0x72: {  	_ =	shalt  }
0x73: {  	_ =	shalt  }
0x74: {  	_ =	shalt  }
0x75: {  	_ =	shalt  }
0x76: {  	_ =	shalt  }
0x77: {  	_ =	shalt  }
0x78: {  	_ =	shalt  }
0x79: {  	_ =	shalt  }
0x7a: {  	_ =	shalt  }
0x7b: {  	_ =	shalt  }
0x7c: {  	_ =	shalt  }
0x7d: {  	_ =	shalt  }
0x7e: {  	_ =	shalt  }
0x7f: {  	_ =	shalt  }
0x80: {  	_ =	shalt  }
0x81: {  	_ =	shalt  }
0x82: {  	_ =	shalt  }
0x83: {  	_ =	shalt  }
0x84: {  	_ =	shalt  }
0x85: {  	_ =	shalt  }
0x86: {  	_ =	shalt  }
0x87: {  	_ =	shalt  }
.Lfunc_end0:
.L_simem_size_0:
called_computation_lowered:
.L_overlay_start_0:
0x88: {  	s2 =	sld [smem:$0x3FD9]  }
0x89: {  	s3 =	sld [smem:$0x3FFE];
	_ =	sdelay $0x1  }
0x8a: {  	s1 =	srdreg.scid  }
0x8b: {  	s0 =	sand.u32 $0x1, s1  }
0x8c: {  	s17 =	sshll.u32 s0, $0xA;
	s2 =	sadd.s32 s3, s2  }
0x8d: {  	s2 =	sadd.s32 s2, s17  }
0x8e: {  	[smem:$0x3FC6] =	sst s2  }
0x8f: {  	_ = 	snop  }
0x90: {  	s2 =	sld [smem:$0x3FD0];
	(tm) =	ssettm $0x1  }
0x91: {  	s18 =	sld [smem:$0x3FFB];
	_ =	sdelay $0x3  }
0x92: {  	_ =	strace s18  }
0x93: {  	s3 =	sld [smem:$0x3FFC];
	_ =	sdelay $0x3  }
0x94: {  	_ =	strace s3  }
0x95: {  	s3 =	sld [smem:$0x3FFD];
	_ =	sdelay $0x3  }
0x96: {  	_ =	strace s3  }
0x97: {  	_ =	strace $0x8FFFFFFF  }
0x98: {  	s19 =	sld [smem:$0x3FDB];
	_ =	sdelay $0x1  }
0x99: {  	s4 =	simm.s32 $_scs_section_size  }
0x9a: {  	s5 =	simm.s32 $_size__tile_overlayer_lowered;
	s6 =	simm.s32 $_tile_overlayer_lowered  }
0x9b: {  	s22 =	simm.s32 $0x1BFF;
	s21 =	sshll.u32 s6, $0x1;
	s3 =	sadd.s32 s4, s19  }
0x9c: {  	s7 =	simm.s32 $0x0;
	s20 =	sshll.u32 s5, $0x1;
	s5 =	sadd.s32 s21, s3  }
0x9d: {  	[timem:s7], [sflag:s22] =	dma.local [hbm:s5], s20  }
0x9e: {  	_ =	swait.ge [sflag:s22], s20  }
0x9f: {  	s4 =	ssub.s32 $0x0, s20;
	[sflag:s22] =	ssyncset.done $0x0  }
0xa0: {  	[sflag:s22] =	ssyncadd.s32 s4;
	_ =	sdelay $0x1  }
0xa1: {  	s23 =	simm.s32 $0x1B8B  }
0xa2: {  	_ =	swait.ge [sflag:s23], $0x1  }
0xa3: {  	[sflag:s23] =	ssyncset.done $0x0  }
0xa4: {  	s25 =	simm.s32 $0x1B8E;
	s24 =	sld [smem:$0x3FFE];
	[sflag:s23] =	ssyncadd.s32 $0xFFFFFFFF  }
0xa5: {  	s26 =	simm.s32 $execute0_lowered;
	[smem:$0x3FD2] =	sst s25  }
0xa6: {  	s5 =	sshll.u32 s26, $0x1;
	_ =	strace $0x80000046;
	[dreg:$0x1] =	wrdreg $0xFFFFFFFF  }
0xa7: {  	s28 =	simm.s32 $_size_execute0_lowered;
	s3 =	sadd.s32 s3, s5;
	[dreg:$0x0] =	wrdreg $0x0  }
0xa8: {  	s5 =	sshll.u32 s28, $0x1;
	[dreg:$0x2] =	wrdreg s3  }
0xa9: {  	[dreg:$0x3] =	wrdreg s5  }
0xaa: {  	[dreg:$0x4] =	wrdreg $0xC0  }
0xab: {  	_ =	task [dreg:s7], $0x5FFFF  }
0xac: {  	[dreg:$0x1] =	wrdreg $0xFFFFFFFF  }
0xad: {  	[dreg:$0x0] =	wrdreg $0x60  }
0xae: {  	[dreg:$0x2] =	wrdreg s24  }
0xaf: {  	[dreg:$0x3] =	wrdreg s2  }
0xb0: {  	[dreg:$0x4] =	wrdreg $0x9  }
0xb1: {  	_ =	task.clear_ibuf [dreg:s7], $0x5FFFF;
	_ =	strace $0x90000046  }
0xb2: {  	s29 =	simm.s32 $0x9;
	_ =	strace $0x80000048  }
0xb3: {  	_ =	swait.ge [sflag:s29], $0x1  }
0xb4: {  	[sflag:s29] =	ssyncadd.s32 $0xFFFFFFFF  }
0xb5: {  	_ =	strace $0x90000048  }
0xb6: {  	_ =	sfence  }
0xb7: {  	s30 =	sld [smem:$0x0];
	_ =	sdelay $0x2  }
0xb8: {  	s31 =	sshll.u32 s1, $0xD;
	s1 =	sshrl.u32 s1, $0x2  }
0xb9: {  	s3 =	sand.u32 $0x4000, s31;
	s1 =	sadd.s32 s1, s30  }
0xba: {  	s0 =	sor.u32 s3, s0;
	s1 =	sshll.u32 s1, $0x11  }
0xbb: {  	s0 =	sor.u32 s1, s0  }
0xbc: {  	s0 =	sadd.s32 $0x8F2B, s0  }
0xbd: {  	[sflag:s0] =	ssyncadd.remote.s32 $0x1  }
0xbe: {  	_ =	sfence.sel $0xFFFF  }
0xbf: {  	[dreg:$0x0] =	wrdreg $0xFFFFFFFF;
	(pc) =	sbr.abs _section_cstart, $3  }
0xc0: {  	[dreg:$0x1] =	wrdreg $0xFFFFFFFF  }
0xc1: {  	_ =	task.clear_ibuf [dreg:s7], $0x2FFFF;
	_ =	strace $0x9FFFFFFF  }
0xc2: {  	(tm) =	ssettm $0x7FFFFFFF  }
0xc3: {  	_ =	shalt  }
tec
execute0_lowered:
.L_overlay_start_1:
0x0: {  	(tag) =	ssettag $0x1  }
0x1: {  	s0 =	srdreg.scid;
	s1 =	rddreg [dreg:$0x0]  }
0x2: {  	s2 =	stileid.u32;
	s11 =	rddreg [dreg:$0x1];
	s13 =	simm.s32 $0x20  }
0x3: {  	s14 =	simm.s32 $0x1000;
	s15 =	simm.s32 $0x4;
	s16 =	simm.s32 $0x40  }
0x4: {  	s25 =	simm.s32 $0x400;
	s19 =	simm.s32 $0x200;
	s21 =	simm.s32 $0x8800  }
0x5: {  	s29 =	simm.s32 $0x700;
	s30 =	simm.s32 $0xC800;
	s31 =	simm.s32 $0x740  }
0x6: {  	s17 =	simm.s32 $0x7C0;
	s12 =	simm.s32 $0xF800;
	s22 =	simm.s32 $0x0  }
0x7: {  	s0 =	sand.u32 $0x1, s0;
	s2 =	sshll.u32 s2, $0xF;
	s4 =	sadd.s32 $0x400, s1  }
0x8: {  	s5 =	sadd.s32 $0x10400, s1;
	s11 =	sadd.s32 $0x1000, s11;
	s3 =	sshll.u32 s0, $0xE  }
0x9: {  	s0 =	ssub.s32 $0x2, s0;
	s6 =	sor.u32 s3, s2;
	s3 =	simm.s32 $0x0  }
0xa: {  	s8 =	sshrl.u32 s0, $0x1;
	s7 =	sshrl.u32 s6, $0x4;
	[smem:$0x7FF] =	sst s3  }
0xb: {  	s0 =	ssub.s32 s0, s8;
	s2 =	sor.u32 s2, s7;
	_ =	strace $0x80000047  }
0xc: {  	s18 =	sand.u32 $0x7000, s7;
	s0 =	smax.u32 s0, $0x1;
	s7 =	simm.s32 $0xE800  }
0xd: {  	s2 =	sand.u32 $0x70C00, s2;
	[dreg:$0x5] =	wrdreg s0;
	s0 =	simm.s32 $0x780  }
0xe: {  	v0 =	vmov s18;
	s18 =	simm.s32 $0x2;
	s9 =	sshrl.u32 s2, $0x3;
	s8 =	sor.u32 $0x40, s2  }
0xf: {  	v2 =	vlaneseq.u32;
	s10 =	sor.u32 $0x60, s2;
	s2 =	simm.s32 $0x3;
	s28 =	sadd.s32 s4, s9  }
0x10: {  	v1 =	vand.u32 $0x1, v2;
	s9 =	sshll.u32 s6, $0x3;
	[dreg:$0x3] =	wrdreg s28;
	s1 =	sadd.s32 $0x4, s28  }
0x11: {  	v2 =	vshrl.u32 v2, $0x1;
	v1 =	vmul.u32 $0x20, v1;
	s6 =	simm.s32 $0x1;
	[dreg:$0x4] =	wrdreg s1;
	s1 =	simm.s32 $0xD800  }
.LBB2_1:
0x12: {  	s20 =	sand.u32 $0x18, s3  }
0x13: {  	v3 =	vmov s20  }
0x14: {  	s26 =	sand.u32 $0xE, s3;
	v3 =	vshrl.u32 v3, $0x3  }
0x15: {  	v4 =	vmov s26;
	v3 =	vshll.u32 v3, $0x3  }
0x16: {  	v4 =	vshll.u32 v4, $0x5;
	v3 =	vbroadcast v3, $0x0  }
0x17: {  	v4 =	vor.u32 v1, v4  }
0x18: {  	[dreg:$0x6] =	wrdreg s22;
	s22 =	simm.s32 $0x1;
	v3 =	vor.u32 v3, v4  }
0x19: {  	s28 =	rddreg [dreg:$0x3];
	s23 =	simm.s32 $0x2;
	s20 =	sand.u32 $0x18, s22;
	v3 =	vor.u32 v2, v3  }
0x1a: {  	[tilespmem:s3], [sflag:$0x4] =	stream.strided.gather [hbm4b:s28+s13], $0x200, s14, s13, $0x38;
	v4 =	vmov s20;
	[tilespmem:$0x10800] =	vst v63  }
0x1b: {  	_ =	swait.ge [sflag:s15], $0x200;
	s20 =	sand.u32 $0xE, s23;
	v4 =	vshrl.u32 v4, $0x3  }
0x1c: {  	[sflag:s15] =	ssyncset.done $0x0;
	v5 =	vmov s20;
	v4 =	vshll.u32 v4, $0x3  }
0x1d: {  	[sflag:s15] =	ssyncadd.s32 $0xFFFFFE00;
	v5 =	vshll.u32 v5, $0x5;
	v4 =	vbroadcast v4, $0x0  }
0x1e: {  	v5 =	vor.u32 v1, v5;
	v3 =	vld.idx.msk [tilespmem:v3+s3+$0x0], $0xffff  }
0x1f: {  	s24 =	simm.s32 $0x2;
	v4 =	vor.u32 v4, v5  }
0x20: {  	s20 =	sand.u32 $0x18, s24;
	v4 =	vor.u32 v2, v4  }
0x21: {  	v5 =	vmov s20;
	s20 =	simm.s32 $0x4  }
0x22: {  	s26 =	sand.u32 $0xE, s20;
	v5 =	vshrl.u32 v5, $0x3  }
0x23: {  	v6 =	vmov s26;
	v5 =	vshll.u32 v5, $0x3;
	v3 =	vadd.s32 v0, v3  }
0x24: {  	v6 =	vshll.u32 v6, $0x5;
	v5 =	vbroadcast v5, $0x0;
	[tilespmem:s25+$0x0] =	vst v3  }
0x25: {  	v6 =	vor.u32 v1, v6;
	v4 =	vld.idx.msk [tilespmem:v4+s3+$0x0], $0xffff  }
0x26: {  	v3 =	vor.u32 v5, v6  }
0x27: {  	s28 =	simm.s32 $0x3;
	v3 =	vor.u32 v2, v3  }
0x28: {  	s22 =	simm.s32 $0x400;
	s23 =	simm.s32 $0x4;
	s24 =	sand.u32 $0x18, s28  }
.LBB2_2:
0x29: {  	p0 =	sne.s32 s23, $0x1F;
	v5 =	vmov s24;
	s20 =	sadd.s32 $0x2, s20  }
0x2a: {  	v4 =	vadd.s32 v0, v4;
	s22 =	sadd.s32 $0x10, s22;
	s24 =	sand.u32 $0xE, s20;
	v5 =	vshrl.u32 v5, $0x3  }
0x2b: {  	v6 =	vmov s24;
	v5 =	vshll.u32 v5, $0x3;
	[tilespmem:s22+$0x0] =	vst v4  }
.Ltmp0:
0x2c: {  	v6 =	vshll.u32 v6, $0x5;
	v5 =	vbroadcast v5, $0x0;
	v4 =	vld.idx.msk [tilespmem:v3+s3+$0x0], $0xffff;
	(pc) =	sbr.rel @p0 .LBB2_2-.Ltmp0, $4  }
0x2d: {  	v3 =	vor.u32 v1, v6  }
0x2e: {  	v3 =	vor.u32 v5, v3  }
0x2f: {  	v3 =	vor.u32 v2, v3  }
0x30: {  	s24 =	sand.u32 $0x18, s23;
	s23 =	sadd.s32 $0x1, s23  }
0x31: {  	v5 =	vmov s24;
	s20 =	sadd.s32 $0x2, s20  }
0x32: {  	s20 =	sand.u32 $0xE, s20;
	v5 =	vshrl.u32 v5, $0x3  }
0x33: {  	v4 =	vadd.s32 v0, v4;
	s22 =	sadd.s32 $0x10, s22;
	v6 =	vmov s20;
	v5 =	vshll.u32 v5, $0x3  }
0x34: {  	[tilespmem:s22+$0x0] =	vst v4;
	v63 =	vshll.u32 v6, $0x5;
	v5 =	vbroadcast v5, $0x0  }
0x35: {  	v3 =	vld.idx.msk [tilespmem:v3+s3+$0x0], $0xffff;
	v4 =	vor.u32 v1, v63  }
0x36: {  	v4 =	vor.u32 v5, v4  }
0x37: {  	v4 =	vor.u32 v2, v4;
	_ =	sdelay $0x2  }
0x38: {  	s22 =	sadd.s32 $0x10, s22;
	v3 =	vadd.s32 v0, v3  }
0x39: {  	[tilespmem:s22+$0x0] =	vst v3  }
0x3a: {  	v3 =	vld.idx.msk [tilespmem:v4+s3+$0x0], $0xffff;
	_ =	sdelay $0x4  }
0x3b: {  	s20 =	sadd.s32 $0x10, s22;
	v3 =	vadd.s32 v0, v3  }
0x3c: {  	s23 =	simm.s32 $0x800;
	[tilespmem:s20+$0x0] =	vst v3  }
0x3d: {  	[tilespmem:s23], [sflag:$0x1] =	stream.indirect.gather [hbm4b:s5+s16], $0x40, s25, s16, $0xb8;
	[tilespmem:$0x10800] =	vst v63  }
0x3e: {  	s24 =	simm.s32 $0x440;
	s25 =	simm.s32 $0x1800  }
0x3f: {  	[tilespmem:s25], [sflag:$0x1] =	stream.indirect.gather [hbm4b:s5+s16], $0x40, s24, s16, $0xb8;
	[tilespmem:$0x10800] =	vst v63  }
0x40: {  	s26 =	simm.s32 $0x480;
	s28 =	simm.s32 $0x2800  }
0x41: {  	[tilespmem:s28], [sflag:$0x1] =	stream.indirect.gather [hbm4b:s5+s16], $0x40, s26, s16, $0xb8;
	[tilespmem:$0x10800] =	vst v63  }
0x42: {  	s22 =	simm.s32 $0x4C0;
	s23 =	simm.s32 $0x3800  }
0x43: {  	[tilespmem:s23], [sflag:$0x1] =	stream.indirect.gather [hbm4b:s5+s16], $0x40, s22, s16, $0xb8;
	[tilespmem:$0x10800] =	vst v63  }
0x44: {  	s24 =	simm.s32 $0x500;
	s25 =	simm.s32 $0x4800  }
0x45: {  	[tilespmem:s25], [sflag:$0x1] =	stream.indirect.gather [hbm4b:s5+s16], $0x40, s24, s16, $0xb8;
	[tilespmem:$0x10800] =	vst v63  }
0x46: {  	s26 =	simm.s32 $0x540;
	s28 =	simm.s32 $0x5800  }
0x47: {  	[tilespmem:s28], [sflag:$0x1] =	stream.indirect.gather [hbm4b:s5+s16], $0x40, s26, s16, $0xb8;
	[tilespmem:$0x10800] =	vst v63  }
0x48: {  	s23 =	simm.s32 $0x580;
	s24 =	simm.s32 $0x6800  }
0x49: {  	[tilespmem:s24], [sflag:$0x1] =	stream.indirect.gather [hbm4b:s5+s16], $0x40, s23, s16, $0xb8;
	[tilespmem:$0x10800] =	vst v63  }
0x4a: {  	s25 =	simm.s32 $0x5C0;
	s26 =	simm.s32 $0x7800  }
0x4b: {  	[tilespmem:s26], [sflag:$0x1] =	stream.indirect.gather [hbm4b:s5+s16], $0x40, s25, s16, $0xb8;
	[tilespmem:$0x10800] =	vst v63  }
0x4c: {  	s20 =	simm.s32 $0x0;
	s22 =	simm.s32 $0x0;
	s28 =	rddreg [dreg:$0x4]  }
0x4d: {  	[tilespmem:s19], [sflag:$0x4] =	stream.strided.gather [hbm4b:s28+s13], $0x200, s14, s13, $0x38;
	[tilespmem:$0x10800] =	vst v63  }
.LBB2_4:
0x4e: {  	s23 =	sand.u32 $0x18, s20  }
0x4f: {  	v3 =	vmov s23  }
0x50: {  	s24 =	sand.u32 $0xE, s20;
	v3 =	vshrl.u32 v3, $0x3  }
0x51: {  	v4 =	vmov s24;
	v3 =	vshll.u32 v3, $0x3  }
0x52: {  	s24 =	sshll.u32 s22, $0x1;
	v4 =	vshll.u32 v4, $0x5;
	v3 =	vbroadcast v3, $0x0  }
0x53: {  	s25 =	smin.u32 s24, $0x1D;
	v4 =	vor.u32 v1, v4  }
0x54: {  	s23 =	sshll.u32 s25, $0x5;
	s25 =	simm.s32 $0x1;
	v3 =	vor.u32 v3, v4  }
0x55: {  	s25 =	sand.u32 $0x18, s25;
	v3 =	vor.u32 v2, v3  }
0x56: {  	_ =	swait.ge [sflag:s15], $0x200;
	s26 =	simm.s32 $0x2;
	s23 =	sadd.s32 s8, s23;
	v4 =	vmov s25  }
0x57: {  	[sflag:s15] =	ssyncset.done $0x0;
	s23 =	sshrl.u32 s23, $0x3;
	s25 =	sand.u32 $0xE, s26;
	v4 =	vshrl.u32 v4, $0x3  }
0x58: {  	[sflag:s15] =	ssyncadd.s32 $0xFFFFFE00;
	s23 =	sadd.s32 s4, s23;
	v5 =	vmov s25;
	v4 =	vshll.u32 v4, $0x3  }
0x59: {  	[tilespmem:s20], [sflag:$0x4] =	stream.strided.gather [hbm4b:s23+s13], $0x200, s14, s13, $0x38;
	v5 =	vshll.u32 v5, $0x5;
	v4 =	vbroadcast v4, $0x0;
	[tilespmem:$0x10800] =	vst v63  }
0x5a: {  	v5 =	vor.u32 v1, v5;
	v3 =	vld.idx.msk [tilespmem:v3+s19+$0x0], $0xffff  }
0x5b: {  	s25 =	simm.s32 $0x2;
	v4 =	vor.u32 v4, v5  }
0x5c: {  	s23 =	sand.u32 $0x18, s25;
	v4 =	vor.u32 v2, v4  }
0x5d: {  	v5 =	vmov s23;
	s23 =	simm.s32 $0x4  }
0x5e: {  	s26 =	sand.u32 $0xE, s23;
	v5 =	vshrl.u32 v5, $0x3  }
0x5f: {  	s25 =	simm.s32 $0x600;
	v6 =	vmov s26;
	v5 =	vshll.u32 v5, $0x3;
	v3 =	vadd.s32 v0, v3  }
0x60: {  	v6 =	vshll.u32 v6, $0x5;
	v5 =	vbroadcast v5, $0x0;
	[tilespmem:s25+$0x0] =	vst v3  }
0x61: {  	v6 =	vor.u32 v1, v6;
	v4 =	vld.idx.msk [tilespmem:v4+s19+$0x0], $0xffff  }
0x62: {  	v3 =	vor.u32 v5, v6  }
0x63: {  	s26 =	simm.s32 $0x3;
	v3 =	vor.u32 v2, v3  }
0x64: {  	s28 =	sand.u32 $0x18, s26;
	s26 =	simm.s32 $0x4  }
.LBB2_5:
0x65: {  	p0 =	sne.s32 s26, $0x1F;
	v5 =	vmov s28;
	s23 =	sadd.s32 $0x2, s23  }
0x66: {  	v4 =	vadd.s32 v0, v4;
	s25 =	sadd.s32 $0x10, s25;
	s28 =	sand.u32 $0xE, s23;
	v5 =	vshrl.u32 v5, $0x3  }
0x67: {  	v6 =	vmov s28;
	v5 =	vshll.u32 v5, $0x3;
	[tilespmem:s25+$0x0] =	vst v4  }
.Ltmp1:
0x68: {  	v6 =	vshll.u32 v6, $0x5;
	v5 =	vbroadcast v5, $0x0;
	v4 =	vld.idx.msk [tilespmem:v3+s19+$0x0], $0xffff;
	(pc) =	sbr.rel @p0 .LBB2_5-.Ltmp1, $4  }
0x69: {  	v3 =	vor.u32 v1, v6  }
0x6a: {  	v3 =	vor.u32 v5, v3  }
0x6b: {  	v3 =	vor.u32 v2, v3  }
0x6c: {  	s28 =	sand.u32 $0x18, s26;
	s26 =	sadd.s32 $0x1, s26  }
0x6d: {  	v5 =	vmov s28;
	s23 =	sadd.s32 $0x2, s23  }
0x6e: {  	s23 =	sand.u32 $0xE, s23;
	v5 =	vshrl.u32 v5, $0x3  }
0x6f: {  	v4 =	vadd.s32 v0, v4;
	s25 =	sadd.s32 $0x10, s25;
	v6 =	vmov s23;
	v5 =	vshll.u32 v5, $0x3  }
0x70: {  	[tilespmem:s25+$0x0] =	vst v4;
	v4 =	vshll.u32 v6, $0x5;
	v5 =	vbroadcast v5, $0x0  }
0x71: {  	v3 =	vld.idx.msk [tilespmem:v3+s19+$0x0], $0xffff;
	v4 =	vor.u32 v1, v4  }
0x72: {  	v4 =	vor.u32 v5, v4  }
0x73: {  	v4 =	vor.u32 v2, v4;
	_ =	sdelay $0x2  }
0x74: {  	s25 =	sadd.s32 $0x10, s25;
	v3 =	vadd.s32 v0, v3  }
0x75: {  	[tilespmem:s25+$0x0] =	vst v3  }
0x76: {  	v3 =	vld.idx.msk [tilespmem:v4+s19+$0x0], $0xffff;
	_ =	sdelay $0x4  }
0x77: {  	p0 =	seq.s32 s22, $0x0;
	s23 =	sadd.s32 $0x10, s25;
	v3 =	vadd.s32 v0, v3  }
0x78: {  	[tilespmem:s23+$0x0] =	vst v3;
	s23 =	simm.s32 @!p0 $0x3  }
0x79: {  	_ =	swait.ge @!p0 [sflag:s23], $0x8000  }
0x7a: {  	[sflag:s23] =	ssyncset.done @!p0 $0x0  }
0x7b: {  	s26 =	simm.s32 $0x600;
	[sflag:s23] =	ssyncadd.s32 @!p0 $0xFFFF8000  }
0x7c: {  	[tilespmem:s21], [sflag:$0x2] =	stream.indirect.gather [hbm4b:s5+s16], $0x40, s26, s16, $0xb8;
	[tilespmem:$0x10800] =	vst v63  }
0x7d: {  	s25 =	simm.s32 $0x640;
	s26 =	simm.s32 $0x9800  }
0x7e: {  	[tilespmem:s26], [sflag:$0x2] =	stream.indirect.gather [hbm4b:s5+s16], $0x40, s25, s16, $0xb8;
	[tilespmem:$0x10800] =	vst v63  }
0x7f: {  	s25 =	simm.s32 $0x680;
	s26 =	simm.s32 $0xA800  }
0x80: {  	[tilespmem:s26], [sflag:$0x2] =	stream.indirect.gather [hbm4b:s5+s16], $0x40, s25, s16, $0xb8;
	[tilespmem:$0x10800] =	vst v63  }
0x81: {  	s25 =	simm.s32 $0x6C0;
	s26 =	simm.s32 $0xB800  }
0x82: {  	[tilespmem:s26], [sflag:$0x2] =	stream.indirect.gather [hbm4b:s5+s16], $0x40, s25, s16, $0xb8;
	[tilespmem:$0x10800] =	vst v63  }
0x83: {  	_ = 	snop  }
0x84: {  	[tilespmem:s30], [sflag:$0x2] =	stream.indirect.gather [hbm4b:s5+s16], $0x40, s29, s16, $0xb8;
	[tilespmem:$0x10800] =	vst v63  }
0x85: {  	_ = 	snop  }
0x86: {  	[tilespmem:s1], [sflag:$0x2] =	stream.indirect.gather [hbm4b:s5+s16], $0x40, s31, s16, $0xb8;
	[tilespmem:$0x10800] =	vst v63  }
0x87: {  	_ = 	snop  }
0x88: {  	[tilespmem:s7], [sflag:$0x2] =	stream.indirect.gather [hbm4b:s5+s16], $0x40, s0, s16, $0xb8;
	[tilespmem:$0x10800] =	vst v63  }
0x89: {  	_ = 	snop  }
0x8a: {  	[tilespmem:s12], [sflag:$0x2] =	stream.indirect.gather [hbm4b:s5+s16], $0x40, s17, s16, $0xb8;
	[tilespmem:$0x10800] =	vst v63  }
0x8b: {  	_ =	swait.ge [sflag:s6], $0x1000  }
0x8c: {  	[sflag:s6] =	ssyncset.done $0x0  }
0x8d: {  	[sflag:s6] =	ssyncadd.s32 $0xFFFFF000  }
0x8e: {  	_ =	swait.ge [sflag:s6], $0x1000  }
0x8f: {  	[sflag:s6] =	ssyncset.done $0x0  }
0x90: {  	[sflag:s6] =	ssyncadd.s32 $0xFFFFF000  }
0x91: {  	_ =	swait.ge [sflag:s6], $0x1000  }
0x92: {  	[sflag:s6] =	ssyncset.done $0x0  }
0x93: {  	[sflag:s6] =	ssyncadd.s32 $0xFFFFF000  }
0x94: {  	_ =	swait.ge [sflag:s6], $0x1000  }
0x95: {  	[sflag:s6] =	ssyncset.done $0x0  }
0x96: {  	[sflag:s6] =	ssyncadd.s32 $0xFFFFF000  }
0x97: {  	_ =	swait.ge [sflag:s6], $0x1000  }
0x98: {  	[sflag:s6] =	ssyncset.done $0x0  }
0x99: {  	[sflag:s6] =	ssyncadd.s32 $0xFFFFF000  }
0x9a: {  	_ =	swait.ge [sflag:s6], $0x1000  }
0x9b: {  	[sflag:s6] =	ssyncset.done $0x0  }
0x9c: {  	[sflag:s6] =	ssyncadd.s32 $0xFFFFF000  }
0x9d: {  	_ =	swait.ge [sflag:s6], $0x1000  }
0x9e: {  	[sflag:s6] =	ssyncset.done $0x0  }
0x9f: {  	s25 =	simm.s32 $0x0;
	[sflag:s6] =	ssyncadd.s32 $0xFFFFF000  }
0xa0: {  	s23 =	sand.u32 $0x18, s25;
	_ =	swait.ge [sflag:s6], $0x1000  }
0xa1: {  	s26 =	sshll.u32 s22, $0xD;
	v3 =	vmov s23;
	[sflag:s6] =	ssyncset.done $0x0  }
0xa2: {  	s23 =	sadd.s32 s9, s26;
	s26 =	sand.u32 $0xE, s25;
	v3 =	vshrl.u32 v3, $0x3;
	[sflag:s6] =	ssyncadd.s32 $0xFFFFF000  }
0xa3: {  	v4 =	vmov s26;
	v3 =	vshll.u32 v3, $0x3;
	s28 =	rddreg [dreg:$0x1]  }
0xa4: {  	s26 =	simm.s32 $0x800;
	v4 =	vshll.u32 v4, $0x5;
	v3 =	vbroadcast v3, $0x0;
	s28 =	sadd.s32 s28, s23  }
0xa5: {  	v4 =	vor.u32 v1, v4;
	[hbm4b:s28+s25] =	stream.linear.scatter [tilespmem:s26], [sflag:$0x3], $0x8000, $0x38;
	[tilespmem:$0x10800] =	vst v63  }
0xa6: {  	s24 =	smin.u32 s24, $0x1C;
	v3 =	vor.u32 v3, v4;
	s26 =	simm.s32 $0x1  }
0xa7: {  	s24 =	sshll.u32 s24, $0x5;
	v3 =	vor.u32 v2, v3;
	s25 =	sand.u32 $0x18, s26  }
0xa8: {  	s24 =	sadd.s32 s24, s10;
	_ =	swait.ge [sflag:s15], $0x200;
	s26 =	simm.s32 $0x2;
	v4 =	vmov s25  }
0xa9: {  	s24 =	sshrl.u32 s24, $0x3;
	[sflag:s15] =	ssyncset.done $0x0;
	s25 =	sand.u32 $0xE, s26;
	v4 =	vshrl.u32 v4, $0x3  }
0xaa: {  	s24 =	sadd.s32 s4, s24;
	[sflag:s15] =	ssyncadd.s32 $0xFFFFFE00;
	v5 =	vmov s25;
	v4 =	vshll.u32 v4, $0x3  }
0xab: {  	[tilespmem:s19], [sflag:$0x4] =	stream.strided.gather [hbm4b:s24+s13], $0x200, s14, s13, $0x38;
	v5 =	vshll.u32 v5, $0x5;
	v4 =	vbroadcast v4, $0x0;
	[tilespmem:$0x10800] =	vst v63  }
0xac: {  	v3 =	vld.idx.msk [tilespmem:v3+s3+$0x0], $0xffff;
	v5 =	vor.u32 v1, v5  }
0xad: {  	s25 =	simm.s32 $0x2;
	v4 =	vor.u32 v4, v5  }
0xae: {  	s24 =	sand.u32 $0x18, s25;
	v4 =	vor.u32 v2, v4  }
0xaf: {  	v5 =	vmov s24;
	s24 =	simm.s32 $0x4  }
0xb0: {  	s26 =	sand.u32 $0xE, s24;
	v5 =	vshrl.u32 v5, $0x3  }
0xb1: {  	s25 =	simm.s32 $0x400;
	v6 =	vmov s26;
	v5 =	vshll.u32 v5, $0x3;
	v3 =	vadd.s32 v0, v3  }
0xb2: {  	v6 =	vshll.u32 v6, $0x5;
	v5 =	vbroadcast v5, $0x0;
	[tilespmem:s25+$0x0] =	vst v3  }
0xb3: {  	v6 =	vor.u32 v1, v6;
	v4 =	vld.idx.msk [tilespmem:v4+s3+$0x0], $0xffff  }
0xb4: {  	v3 =	vor.u32 v5, v6  }
0xb5: {  	s26 =	simm.s32 $0x3;
	v3 =	vor.u32 v2, v3  }
0xb6: {  	s28 =	sand.u32 $0x18, s26;
	s26 =	simm.s32 $0x4  }
.LBB2_7:
0xb7: {  	p0 =	sne.s32 s26, $0x1F;
	v5 =	vmov s28;
	s24 =	sadd.s32 $0x2, s24  }
0xb8: {  	v4 =	vadd.s32 v0, v4;
	s25 =	sadd.s32 $0x10, s25;
	s28 =	sand.u32 $0xE, s24;
	v5 =	vshrl.u32 v5, $0x3  }
0xb9: {  	v6 =	vmov s28;
	v5 =	vshll.u32 v5, $0x3;
	[tilespmem:s25+$0x0] =	vst v4  }
.Ltmp2:
0xba: {  	v6 =	vshll.u32 v6, $0x5;
	v5 =	vbroadcast v5, $0x0;
	v4 =	vld.idx.msk [tilespmem:v3+s3+$0x0], $0xffff;
	(pc) =	sbr.rel @p0 .LBB2_7-.Ltmp2, $4  }
0xbb: {  	v3 =	vor.u32 v1, v6  }
0xbc: {  	v3 =	vor.u32 v5, v3  }
0xbd: {  	v3 =	vor.u32 v2, v3  }
0xbe: {  	s28 =	sand.u32 $0x18, s26;
	s26 =	sadd.s32 $0x1, s26  }
0xbf: {  	v5 =	vmov s28;
	s24 =	sadd.s32 $0x2, s24  }
0xc0: {  	s24 =	sand.u32 $0xE, s24;
	v5 =	vshrl.u32 v5, $0x3  }
0xc1: {  	v4 =	vadd.s32 v0, v4;
	s25 =	sadd.s32 $0x10, s25;
	v6 =	vmov s24;
	v5 =	vshll.u32 v5, $0x3  }
0xc2: {  	[tilespmem:s25+$0x0] =	vst v4;
	v63 =	vshll.u32 v6, $0x5;
	v5 =	vbroadcast v5, $0x0  }
0xc3: {  	v3 =	vld.idx.msk [tilespmem:v3+s3+$0x0], $0xffff;
	v4 =	vor.u32 v1, v63  }
0xc4: {  	v4 =	vor.u32 v5, v4  }
0xc5: {  	v4 =	vor.u32 v2, v4;
	_ =	sdelay $0x2  }
0xc6: {  	s28 =	sadd.s32 $0x10, s25;
	v3 =	vadd.s32 v0, v3  }
0xc7: {  	[tilespmem:s28+$0x0] =	vst v3  }
0xc8: {  	v3 =	vld.idx.msk [tilespmem:v4+s3+$0x0], $0xffff;
	_ =	sdelay $0x4  }
0xc9: {  	s24 =	sadd.s32 $0x10, s28;
	v3 =	vadd.s32 v0, v3  }
0xca: {  	[tilespmem:s24+$0x0] =	vst v3  }
0xcb: {  	p0 =	seq.s32 s22, $0xF;
	_ =	swait.ge [sflag:s2], $0x8000  }
0xcc: {  	s25 =	simm.s32 @!p0 $0x400;
	[sflag:s2] =	ssyncset.done $0x0  }
0xcd: {  	s26 =	simm.s32 @!p0 $0x800;
	s24 =	simm.s32 @!p0 $0x40;
	[sflag:s2] =	ssyncadd.s32 $0xFFFF8000  }
0xce: {  	[tilespmem:s26], [sflag:$0x1] =	stream.indirect.gather @!p0 [hbm4b:s5+s24], $0x40, s25, s24, $0xb8;
	[tilespmem:$0x10800] =	vst v63  }
0xcf: {  	s25 =	simm.s32 @!p0 $0x440;
	s26 =	simm.s32 @!p0 $0x1800  }
0xd0: {  	[tilespmem:s26], [sflag:$0x1] =	stream.indirect.gather @!p0 [hbm4b:s5+s24], $0x40, s25, s24, $0xb8;
	[tilespmem:$0x10800] =	vst v63  }
0xd1: {  	s25 =	simm.s32 @!p0 $0x480;
	s26 =	simm.s32 @!p0 $0x2800  }
0xd2: {  	[tilespmem:s26], [sflag:$0x1] =	stream.indirect.gather @!p0 [hbm4b:s5+s24], $0x40, s25, s24, $0xb8;
	[tilespmem:$0x10800] =	vst v63  }
0xd3: {  	s25 =	simm.s32 @!p0 $0x4C0;
	s26 =	simm.s32 @!p0 $0x3800  }
0xd4: {  	[tilespmem:s26], [sflag:$0x1] =	stream.indirect.gather @!p0 [hbm4b:s5+s24], $0x40, s25, s24, $0xb8;
	[tilespmem:$0x10800] =	vst v63  }
0xd5: {  	s25 =	simm.s32 @!p0 $0x500;
	s26 =	simm.s32 @!p0 $0x4800  }
0xd6: {  	[tilespmem:s26], [sflag:$0x1] =	stream.indirect.gather @!p0 [hbm4b:s5+s24], $0x40, s25, s24, $0xb8;
	[tilespmem:$0x10800] =	vst v63  }
0xd7: {  	s25 =	simm.s32 @!p0 $0x540;
	s26 =	simm.s32 @!p0 $0x5800  }
0xd8: {  	[tilespmem:s26], [sflag:$0x1] =	stream.indirect.gather @!p0 [hbm4b:s5+s24], $0x40, s25, s24, $0xb8;
	[tilespmem:$0x10800] =	vst v63  }
0xd9: {  	s25 =	simm.s32 @!p0 $0x580;
	s26 =	simm.s32 @!p0 $0x6800  }
0xda: {  	[tilespmem:s26], [sflag:$0x1] =	stream.indirect.gather @!p0 [hbm4b:s5+s24], $0x40, s25, s24, $0xb8;
	[tilespmem:$0x10800] =	vst v63  }
0xdb: {  	s25 =	simm.s32 @!p0 $0x5C0;
	s26 =	simm.s32 @!p0 $0x7800  }
0xdc: {  	[tilespmem:s26], [sflag:$0x1] =	stream.indirect.gather @!p0 [hbm4b:s5+s24], $0x40, s25, s24, $0xb8;
	[tilespmem:$0x10800] =	vst v63  }
0xdd: {  	_ =	swait.ge [sflag:s18], $0x1000  }
0xde: {  	[sflag:s18] =	ssyncset.done $0x0  }
0xdf: {  	[sflag:s18] =	ssyncadd.s32 $0xFFFFF000  }
0xe0: {  	_ =	swait.ge [sflag:s18], $0x1000  }
0xe1: {  	[sflag:s18] =	ssyncset.done $0x0  }
0xe2: {  	[sflag:s18] =	ssyncadd.s32 $0xFFFFF000  }
0xe3: {  	_ =	swait.ge [sflag:s18], $0x1000  }
0xe4: {  	[sflag:s18] =	ssyncset.done $0x0  }
0xe5: {  	[sflag:s18] =	ssyncadd.s32 $0xFFFFF000  }
0xe6: {  	_ =	swait.ge [sflag:s18], $0x1000  }
0xe7: {  	[sflag:s18] =	ssyncset.done $0x0  }
0xe8: {  	[sflag:s18] =	ssyncadd.s32 $0xFFFFF000  }
0xe9: {  	_ =	swait.ge [sflag:s18], $0x1000  }
0xea: {  	[sflag:s18] =	ssyncset.done $0x0  }
0xeb: {  	[sflag:s18] =	ssyncadd.s32 $0xFFFFF000  }
0xec: {  	_ =	swait.ge [sflag:s18], $0x1000  }
0xed: {  	[sflag:s18] =	ssyncset.done $0x0  }
0xee: {  	[sflag:s18] =	ssyncadd.s32 $0xFFFFF000  }
0xef: {  	s22 =	sadd.s32 $0x1, s22;
	_ =	swait.ge [sflag:s18], $0x1000  }
0xf0: {  	p0 =	sne.s32 s22, $0x10;
	[sflag:s18] =	ssyncset.done $0x0  }
.Ltmp3:
0xf1: {  	[sflag:s18] =	ssyncadd.s32 $0xFFFFF000;
	(pc) =	sbr.rel @p0 .LBB2_4-.Ltmp3, $4  }
0xf2: {  	_ =	swait.ge [sflag:s18], $0x1000  }
0xf3: {  	[sflag:s18] =	ssyncset.done $0x0  }
0xf4: {  	s23 =	sadd.s32 s23, s11;
	[sflag:s18] =	ssyncadd.s32 $0xFFFFF000  }
0xf5: {  	[hbm4b:s23+s3] =	stream.linear.scatter [tilespmem:s21], [sflag:$0x3], $0x8000, $0x38;
	[tilespmem:$0x10800] =	vst v63  }
0xf6: {  	_ =	swait.ge [sflag:s2], $0x8000  }
0xf7: {  	[sflag:s2] =	ssyncset.done $0x0  }
0xf8: {  	[sflag:s2] =	ssyncadd.s32 $0xFFFF8000  }
0xf9: {  	_ =	swait.ge [sflag:s15], $0x200  }
0xfa: {  	s22 =	rddreg [dreg:$0x6]  }
0xfb: {  	s20 =	rddreg [dreg:$0x5];
	s22 =	sadd.s32 $0x1, s22  }
0xfc: {  	p0 =	sne.s32 s22, s20  }
.Ltmp4:
0xfd: {  	_ = 	snop;
	(pc) =	sbr.rel @p0 .LBB2_1-.Ltmp4, $3  }
0xfe: {  	_ =	sdelay $0x1  }
0xff: {  	[sflag:s15] =	ssyncset.done $0x0  }
0x100: {  	s25 =	simm.s32 $0x400;
	[sflag:s15] =	ssyncadd.s32 $0xFFFFFE00  }
0x101: {  	_ =	sfence.sel $0x180000  }
0x102: {  	[bflag:$0x0] =	sbarrier.arrive $0xFFFF  }
0x103: {  	_ =	strace $0x90000047  }
0x104: {  	s0 =	stileid.u32;
	[bflag:$0x2] =	sbarrier.arrive $0xFFFF  }
0x105: {  	p0 =	sne.s32 s0, $0x0;
	s0 =	rddreg [dreg:$0x2]  }
0x106: {  	s0 =	sadd.s32 @!p0 $0x100000, s0  }
0x107: {  	[sflag:s0] =	ssyncadd.tile.s32 @!p0 $0x1;
	_ =	shalt  }
.Lfunc_end2:
_tile_overlayer_lowered:
.L_overlay_start_2:
0x108: {  	(tag) =	ssettag $0x2  }
0x109: {  	s0 =	rddreg [dreg:$0x0];
	s2 =	stileid.u32  }
0x10a: {  	s1 =	rddreg [dreg:$0x1];
	p0 =	sne.s32 s2, $0x0  }
0x10b: {  	s3 =	rddreg [dreg:$0x2];
	[bflag:$0x3] =	sbarrier.arrive $0xFFFF;
	s2 =	simm.s32 @!p0 $0x1C05  }
0x10c: {  	[timem:s3], [sflag:s2] =	dma.local @!p0 [hbm:s0], s1  }
0x10d: {  	s0 =	simm.s32 @!p0 $0x5  }
0x10e: {  	_ =	swait.ge @!p0 [sflag:s0], s1  }
0x10f: {  	s1 =	ssub.s32 @!p0 $0x0, s1;
	[sflag:s0] =	ssyncset.done @!p0 $0x0  }
0x110: {  	[sflag:s0] =	ssyncadd.s32 @!p0 s1  }
0x111: {  	[bflag:$0x3] =	sbarrier.arrive $0xFFFF  }
0x112: {  	_ =	shalt  }

</sc_bundles>
